<compile_context>
chip_gen: v7x
topology: tpu7x:2x2x1
jax: 0.10.2.dev20260603
libtpu: 0.0.44.dev20260713+nightly
codegen_flags: <defaults>
</compile_context>

<pallas_src>
import functools

import numpy as np
import jax
import jax.numpy as jnp
from jax import lax
from jax.experimental import pallas as pl
from jax.experimental.pallas import tpu as pltpu
from jax.experimental.pallas import tpu_sc as plsc

_N = 1024
_NL = 1152
_BT = 128

_NN = [1, 2, 4, 8, 16, 32, 64, 128, 256, 512, 1]
_OFF = [0, 1, 3, 7, 15, 31, 63, 128, 256, 512, 1024]


def _bitrev(k, bits):
    r = 0
    for _ in range(bits):
        r = (r << 1) | (k & 1)
        k >>= 1
    return r


_node_of_pos = np.full((_NL,), -1, dtype=np.int64)
_pos_of_node = np.zeros((_N,), dtype=np.int64)
for _d in range(11):
    _bits = _d if _d < 10 else 0
    for _k in range(_NN[_d]):
        _node = 2 ** _d - 1 + _k
        _pos = _OFF[_d] + _bitrev(_k, _bits)
        _node_of_pos[_pos] = _node
        _pos_of_node[_node] = _pos

_parent_np = np.zeros((_N,), dtype=np.int64)
for _i in range(1, _N):
    _parent_np[_i] = (_i - 1) // 2

_perm_in = np.zeros((2 * _NL,), dtype=np.int32)
for _q in range(_NL):
    _nd = _node_of_pos[_q]
    _perm_in[_q] = 2 * _nd if _nd >= 0 else 0
    _perm_in[_NL + _q] = 2 * _nd + 1 if _nd >= 0 else 0
_perm_out = np.zeros((2 * _N,), dtype=np.int32)
for _nd in range(_N):
    _perm_out[2 * _nd] = _pos_of_node[_nd]
    _perm_out[2 * _nd + 1] = _NL + _pos_of_node[_nd]

_ROWIDX = np.zeros((8 * _NL,), dtype=np.int32)
_LANE0 = np.zeros((8, _NL), dtype=np.int32)
for _e in range(8 * _NL):
    _dirab, _q = _e // _NL, _e % _NL
    _j = _node_of_pos[_q]
    if _j >= 1:
        _a, _b = (_dirab % 4) // 2, (_dirab % 4) % 2
        if _dirab < 4:
            _i, _m = _parent_np[_j], _j
        else:
            _i, _m = _j, _parent_np[_j]
        _ROWIDX[_e] = ((_i * 2 + _a) * 8 + _m // 128) * 2 + _b
        _LANE0[_dirab, _q] = _m % 128


def _pairs_flat_view(pairs):
    v = pairs.transpose(0, 2, 3, 1)
    v = v.reshape(_N, 2, 2, 8, 128)
    v = v.transpose(0, 1, 3, 2, 4)
    return v.reshape(32768, 128)


def _sc_gather_rows(table, rowidx):
    mesh = plsc.VectorSubcoreMesh(core_axis_name="c", subcore_axis_name="s")

    @functools.partial(
        pl.kernel,
        mesh=mesh,
        out_type=jax.ShapeDtypeStruct((8 * _NL, 128), jnp.float32),
        scratch_types=[
            pltpu.VMEM((288,), jnp.int32),
            pltpu.VMEM((288, 128), jnp.float32),
            pltpu.SemaphoreType.DMA,
        ],
    )
    def k(table_hbm, rowidx_hbm, out_hbm, ridx_v, rows_v, sem):
        wid = lax.axis_index("s") * 2 + lax.axis_index("c")
        base = wid * 288
        pltpu.sync_copy(rowidx_hbm.at[pl.ds(base, 288)], ridx_v)
        copies = [
            pltpu.async_copy(
                table_hbm.at[ridx_v.at[pl.ds(c * 96, 96)]],
                rows_v.at[pl.ds(c * 96, 96)],
                sem,
            )
            for c in range(3)
        ]
        for c in copies:
            c.wait()
        pltpu.sync_copy(rows_v, out_hbm.at[pl.ds(base, 288)])

    return k(table, rowidx)


def _extract_body(r_ref, lane_ref, o_ref):
    R = r_ref[:, :].reshape(8, _NL, 128)
    lane = lane_ref[:, :].reshape(8, _NL, 1)
    li = lax.broadcasted_iota(jnp.int32, (8, _NL, 128), 2)
    m = (li == lane).astype(jnp.float32)
    o_ref[:, :] = jnp.sum(R * m, axis=-1)


def _tc_extract(R):
    return pl.pallas_call(
        _extract_body,
        out_shape=jax.ShapeDtypeStruct((8, _NL), jnp.float32),
    )(R, jnp.asarray(_LANE0))


def _lse2(u, v):
    m = jnp.maximum(u, v)
    return m + jnp.log(jnp.exp(u - m) + jnp.exp(v - m))


def _tc_body(x_ref, p_ref, o_ref):
    X = x_ref[:, :]
    P = p_ref[:, :]
    bt = X.shape[0]
    X0 = X[:, :_NL]
    X1 = X[:, _NL:]

    def pr(row, d):
        return P[row:row + 1, _OFF[d]:_OFF[d] + _NN[d]]

    def xs(Xl, d):
        return Xl[:, _OFF[d]:_OFF[d] + _NN[d]]

    a0 = {}
    a1 = {}
    m0 = _lse2(xs(X0, 10) + pr(0, 10), xs(X1, 10) + pr(1, 10))
    m1 = _lse2(xs(X0, 10) + pr(2, 10), xs(X1, 10) + pr(3, 10))
    z511 = jnp.zeros((bt, 511), jnp.float32)
    a0[9] = jnp.concatenate([m0, z511], axis=1)
    a1[9] = jnp.concatenate([m1, z511], axis=1)
    for d in range(9, 0, -1):
        n = _NN[d]
        l0 = xs(X0, d)
        l1 = xs(X1, d)
        if d in a0:
            l0 = l0 + a0[d]
            l1 = l1 + a1[d]
        m0 = _lse2(l0 + pr(0, d), l1 + pr(1, d))
        m1 = _lse2(l0 + pr(2, d), l1 + pr(3, d))
        h = n // 2
        a0[d - 1] = m0[:, :h] + m0[:, h:]
        a1[d - 1] = m1[:, :h] + m1[:, h:]

    b0 = {0: jnp.zeros((bt, 1), jnp.float32)}
    b1 = {0: jnp.zeros((bt, 1), jnp.float32)}
    for d in range(0, 9):
        pl0 = xs(X0, d) + b0[d]
        pl1 = xs(X1, d) + b1[d]
        r0 = jnp.concatenate([pl0, pl0], axis=1)
        r1 = jnp.concatenate([pl1, pl1], axis=1)
        b0[d + 1] = _lse2(r0 + pr(4, d + 1), r1 + pr(5, d + 1))
        b1[d + 1] = _lse2(r0 + pr(6, d + 1), r1 + pr(7, d + 1))
    pl0 = X0[:, 512:513] + b0[9][:, 0:1]
    pl1 = X1[:, 512:513] + b1[9][:, 0:1]
    b0[10] = _lse2(pl0 + pr(4, 10), pl1 + pr(5, 10))
    b1[10] = _lse2(pl0 + pr(6, 10), pl1 + pr(7, 10))

    a0[10] = jnp.zeros((bt, 1), jnp.float32)
    a1[10] = jnp.zeros((bt, 1), jnp.float32)
    zpad1 = jnp.zeros((bt, 1), jnp.float32)
    zpad127 = jnp.zeros((bt, 127), jnp.float32)

    def asm(parts):
        seq = [parts[d] for d in range(7)] + [zpad1]
        seq += [parts[d] for d in range(7, 11)] + [zpad127]
        return jnp.concatenate(seq, axis=1)

    S0 = X0 + asm(a0) + asm(b0)
    S1 = X1 + asm(a1) + asm(b1)
    z = _lse2(S0, S1)
    o_ref[:, :] = jnp.concatenate([S0 - z, S1 - z], axis=1)


def _tc_bp(Xp, ptab):
    B = Xp.shape[0]
    return pl.pallas_call(
        _tc_body,
        grid=(B // _BT,),
        in_specs=[
            pl.BlockSpec((_BT, 2 * _NL), lambda i: (i, 0)),
            pl.BlockSpec((8, _NL), lambda i: (0, 0)),
        ],
        out_specs=pl.BlockSpec((_BT, 2 * _NL), lambda i: (i, 0)),
        out_shape=jax.ShapeDtypeStruct((B, 2 * _NL), jnp.float32),
    )(Xp, ptab)


def kernel(X, pairs):
    B = X.shape[0]
    Xp = jnp.take(X.reshape(B, 2 * _N).T, jnp.asarray(_perm_in), axis=0).T
    R = _sc_gather_rows(_pairs_flat_view(pairs), jnp.asarray(_ROWIDX))
    out_p = _tc_bp(Xp, _tc_extract(R))
    out = jnp.take(out_p.T, jnp.asarray(_perm_out), axis=0).T
    return out.reshape(B, _N, 2)

# --- scband reference (transcript-rebuilt; emitter-appended) ---
"""Pipeline reference for scband-tree-crflayer-77532749627713 (READ-ONLY COPY).

The authoritative reference and input builder live on the scoring server;
editing this copy changes nothing except your own understanding.
"""

import jax, jax.numpy as jnp
import numpy as np

N_CLASSES = 1024
N_LABELS = 2
BATCH = 1024

# Binary-heap tree: parent(i) = (i-1)//2, node 0 is the root.
_parent = np.full((N_CLASSES,), -1, dtype=np.int64)
for _i in range(1, N_CLASSES):
    _parent[_i] = (_i - 1) // 2
_depth = np.zeros((N_CLASSES,), dtype=np.int64)
for _i in range(1, N_CLASSES):
    _depth[_i] = _depth[_parent[_i]] + 1
_max_depth = int(_depth.max())
_levels = [np.where(_depth == d)[0] for d in range(_max_depth + 1)]


def _logsumexp(x, axis):
    m = jnp.max(x, axis=axis, keepdims=True)
    return jnp.squeeze(m, axis=axis) + jnp.log(jnp.sum(jnp.exp(x - m), axis=axis))


def setup_inputs(seed: int = 0) -> dict:
    key = jax.random.key(seed)
    k1, k2 = jax.random.split(key)
    X = jax.random.normal(k1, (BATCH, N_CLASSES, N_LABELS), dtype=jnp.float32)
    # pairs parameter, init uniform(0.1, 1.0) as in torch.nn.init.uniform_
    pairs = jax.random.uniform(k2, (N_CLASSES, N_CLASSES, N_LABELS, N_LABELS), dtype=jnp.float32, minval=0.1, maxval=1.0)
    return {"X": X, "pairs": pairs}


def _crf_marginals(X, pairs):
    B = X.shape[0]
    # upward messages (leaves -> root), processed level by level (reverse BFS)
    alphas = jnp.zeros((B, N_CLASSES, N_LABELS), dtype=X.dtype)
    for d in range(_max_depth, 0, -1):
        nodes = _levels[d]                       # children j at depth d
        par = _parent[nodes]                     # their parents i
        local = X[:, nodes, :] + alphas[:, nodes, :]          # (B, n, L)
        p = pairs[par, nodes]                                  # (n, L, L) = pairs[i, j, a, b]
        # msg[r, n, a] = logsumexp_b(local[r, n, b] + p[n, a, b])
        msg = _logsumexp(local[:, :, None, :] + p[None, :, :, :], axis=3)
        alphas = alphas.at[:, par, :].add(msg)   # scatter-add; duplicate parents accumulate
    # downward messages (root -> leaves), processed level by level (BFS)
    betas = jnp.zeros((B, N_CLASSES, N_LABELS), dtype=X.dtype)
    for d in range(0, _max_depth):
        childs = _levels[d + 1]                  # children i at depth d+1
        par = _parent[childs]                    # message source j (parent)
        local = X[:, par, :] + betas[:, par, :]               # (B, n, L)
        p = pairs[childs, par]                                 # pairs[i, j, a, b], i=child
        msg = _logsumexp(local[:, :, None, :] + p[None, :, :, :], axis=3)
        betas = betas.at[:, childs, :].add(msg)
    scores = X + alphas + betas
    logZ = _logsumexp(scores, axis=2)[:, :, None]
    return scores - logZ


def reference(X, pairs):
    return _crf_marginals(X, pairs)

if __name__ == "__main__":
    import jax
    _d = setup_inputs()
    print(jax.jit(kernel)(*tuple(_d.values())))

</pallas_src>

<mosaic_0001>
#map = affine_map<(d0, d1) -> (0, 0)>
#map1 = affine_map<(d0, d1) -> (0)>
module attributes {stable_mosaic.version = 14 : i64} {
  func.func @k(%arg0: i32, %arg1: i32, %arg2: memref<32768x128xf32, #tpu.memory_space<hbm>>, %arg3: memref<9216xi32, #tpu.memory_space<hbm>>, %arg4: memref<9216x128xf32, #tpu.memory_space<hbm>>, %arg5: memref<288xi32, #tpu.memory_space<vmem>>, %arg6: memref<288x128xf32, #tpu.memory_space<vmem>>, %arg7: memref<!tpu.dma_semaphore, #tpu.memory_space<semaphore_mem>>) attributes {dimension_semantics = [#tpu.dimension_semantics<core_parallel>, #tpu.dimension_semantics<subcore_parallel>], iteration_bounds = array<i64: 2, 16>, scalar_prefetch = 0 : i64, scratch_operands = 3 : i64, tpu.core_type = #tpu.core_type<sc_vector_subcore>, window_params = [{transform_indices = #map}, {transform_indices = #map1}, {transform_indices = #map}]} {
    %mul3A = arith.constant 2 : i32
    %mul3A_0 = arith.muli %arg1, %mul3A : i32
    %add3A = arith.addi %mul3A_0, %arg0 : i32
    %mul3A_1 = arith.constant 288 : i32
    %mul3A_2 = arith.muli %add3A, %mul3A_1 : i32
    "tpu.region"() ({
      %run_scoped3A = tpu.sem_alloc : memref<!tpu.dma_semaphore, #tpu.memory_space<semaphore_mem>>
      %dma_start3A_49 = tpu.memref_slice %arg3[%mul3A_2] : memref<9216xi32, #tpu.memory_space<hbm>> -> memref<288xi32, #tpu.memory_space<hbm>>
      %dma_start3A_50 = tpu.memref_slice %arg3[%mul3A_2] : memref<9216xi32, #tpu.memory_space<hbm>> -> memref<288xi32, #tpu.memory_space<hbm>>
      tpu.enqueue_dma source(%dma_start3A_50 : memref<288xi32, #tpu.memory_space<hbm>>) target(%arg5 : memref<288xi32, #tpu.memory_space<vmem>>) target_semaphore(%run_scoped3A : memref<!tpu.dma_semaphore, #tpu.memory_space<semaphore_mem>>)
      %dma_wait3A_51 = tpu.memref_slice %arg3[%mul3A_2] : memref<9216xi32, #tpu.memory_space<hbm>> -> memref<288xi32, #tpu.memory_space<hbm>>
      %dma_wait3A_52 = tpu.memref_slice %arg3[%mul3A_2] : memref<9216xi32, #tpu.memory_space<hbm>> -> memref<288xi32, #tpu.memory_space<hbm>>
      tpu.wait_dma2 semaphore(%run_scoped3A : memref<!tpu.dma_semaphore, #tpu.memory_space<semaphore_mem>>) src(%dma_wait3A_52 : memref<288xi32, #tpu.memory_space<hbm>>) dst(%arg5 : memref<288xi32, #tpu.memory_space<vmem>>)
      tpu.yield
    }) : () -> ()
    %dma_start3A = arith.constant 0 : i32
    %dma_start3A_3 = arith.constant 0 : i32
    %dma_start3A_4 = tpu.memref_slice %arg6[%dma_start3A, %dma_start3A_3] : memref<288x128xf32, #tpu.memory_space<vmem>> -> memref<96x128xf32, #tpu.memory_space<vmem>>
    %dma_start3A_5 = arith.constant 0 : i32
    %dma_start3A_6 = tpu.memref_slice %arg5[%dma_start3A_5] : memref<288xi32, #tpu.memory_space<vmem>> -> memref<96xi32, #tpu.memory_space<vmem>>
    %dma_start3A_7 = arith.constant 0 : i32
    %dma_start3A_8 = arith.constant 0 : i32
    %dma_start3A_9 = tpu.memref_slice %arg2[%dma_start3A_7, %dma_start3A_8] : memref<32768x128xf32, #tpu.memory_space<hbm>> -> memref<32768x128xf32, #tpu.memory_space<hbm>>
    tpu.enqueue_indirect_dma source(%dma_start3A_9 : memref<32768x128xf32, #tpu.memory_space<hbm>>) target(%dma_start3A_4 : memref<96x128xf32, #tpu.memory_space<vmem>>) offsets(%dma_start3A_6 : memref<96xi32, #tpu.memory_space<vmem>>) semaphore(%arg7 : memref<!tpu.dma_semaphore, #tpu.memory_space<semaphore_mem>>)
    %dma_start3A_10 = arith.constant 96 : i32
    %dma_start3A_11 = arith.constant 0 : i32
    %dma_start3A_12 = tpu.memref_slice %arg6[%dma_start3A_10, %dma_start3A_11] : memref<288x128xf32, #tpu.memory_space<vmem>> -> memref<96x128xf32, #tpu.memory_space<vmem>>
    %dma_start3A_13 = arith.constant 96 : i32
    %dma_start3A_14 = tpu.memref_slice %arg5[%dma_start3A_13] : memref<288xi32, #tpu.memory_space<vmem>> -> memref<96xi32, #tpu.memory_space<vmem>>
    %dma_start3A_15 = arith.constant 0 : i32
    %dma_start3A_16 = arith.constant 0 : i32
    %dma_start3A_17 = tpu.memref_slice %arg2[%dma_start3A_15, %dma_start3A_16] : memref<32768x128xf32, #tpu.memory_space<hbm>> -> memref<32768x128xf32, #tpu.memory_space<hbm>>
    tpu.enqueue_indirect_dma source(%dma_start3A_17 : memref<32768x128xf32, #tpu.memory_space<hbm>>) target(%dma_start3A_12 : memref<96x128xf32, #tpu.memory_space<vmem>>) offsets(%dma_start3A_14 : memref<96xi32, #tpu.memory_space<vmem>>) semaphore(%arg7 : memref<!tpu.dma_semaphore, #tpu.memory_space<semaphore_mem>>)
    %dma_start3A_18 = arith.constant 192 : i32
    %dma_start3A_19 = arith.constant 0 : i32
    %dma_start3A_20 = tpu.memref_slice %arg6[%dma_start3A_18, %dma_start3A_19] : memref<288x128xf32, #tpu.memory_space<vmem>> -> memref<96x128xf32, #tpu.memory_space<vmem>>
    %dma_start3A_21 = arith.constant 192 : i32
    %dma_start3A_22 = tpu.memref_slice %arg5[%dma_start3A_21] : memref<288xi32, #tpu.memory_space<vmem>> -> memref<96xi32, #tpu.memory_space<vmem>>
    %dma_start3A_23 = arith.constant 0 : i32
    %dma_start3A_24 = arith.constant 0 : i32
    %dma_start3A_25 = tpu.memref_slice %arg2[%dma_start3A_23, %dma_start3A_24] : memref<32768x128xf32, #tpu.memory_space<hbm>> -> memref<32768x128xf32, #tpu.memory_space<hbm>>
    tpu.enqueue_indirect_dma source(%dma_start3A_25 : memref<32768x128xf32, #tpu.memory_space<hbm>>) target(%dma_start3A_20 : memref<96x128xf32, #tpu.memory_space<vmem>>) offsets(%dma_start3A_22 : memref<96xi32, #tpu.memory_space<vmem>>) semaphore(%arg7 : memref<!tpu.dma_semaphore, #tpu.memory_space<semaphore_mem>>)
    %dma_wait3A = arith.constant 0 : i32
    %dma_wait3A_26 = arith.constant 0 : i32
    %dma_wait3A_27 = tpu.memref_slice %arg6[%dma_wait3A, %dma_wait3A_26] : memref<288x128xf32, #tpu.memory_space<vmem>> -> memref<96x128xf32, #tpu.memory_space<vmem>>
    %dma_wait3A_28 = arith.constant 0 : i32
    %dma_wait3A_29 = tpu.memref_slice %arg5[%dma_wait3A_28] : memref<288xi32, #tpu.memory_space<vmem>> -> memref<96xi32, #tpu.memory_space<vmem>>
    %dma_wait3A_30 = arith.constant 0 : i32
    %dma_wait3A_31 = arith.constant 0 : i32
    %dma_wait3A_32 = tpu.memref_slice %arg2[%dma_wait3A_30, %dma_wait3A_31] : memref<32768x128xf32, #tpu.memory_space<hbm>> -> memref<32768x128xf32, #tpu.memory_space<hbm>>
    tpu.wait_indirect_dma semaphore(%arg7 : memref<!tpu.dma_semaphore, #tpu.memory_space<semaphore_mem>>) src(%dma_wait3A_32 : memref<32768x128xf32, #tpu.memory_space<hbm>>) dst(%dma_wait3A_27 : memref<96x128xf32, #tpu.memory_space<vmem>>)
    %dma_wait3A_33 = arith.constant 96 : i32
    %dma_wait3A_34 = arith.constant 0 : i32
    %dma_wait3A_35 = tpu.memref_slice %arg6[%dma_wait3A_33, %dma_wait3A_34] : memref<288x128xf32, #tpu.memory_space<vmem>> -> memref<96x128xf32, #tpu.memory_space<vmem>>
    %dma_wait3A_36 = arith.constant 96 : i32
    %dma_wait3A_37 = tpu.memref_slice %arg5[%dma_wait3A_36] : memref<288xi32, #tpu.memory_space<vmem>> -> memref<96xi32, #tpu.memory_space<vmem>>
    %dma_wait3A_38 = arith.constant 0 : i32
    %dma_wait3A_39 = arith.constant 0 : i32
    %dma_wait3A_40 = tpu.memref_slice %arg2[%dma_wait3A_38, %dma_wait3A_39] : memref<32768x128xf32, #tpu.memory_space<hbm>> -> memref<32768x128xf32, #tpu.memory_space<hbm>>
    tpu.wait_indirect_dma semaphore(%arg7 : memref<!tpu.dma_semaphore, #tpu.memory_space<semaphore_mem>>) src(%dma_wait3A_40 : memref<32768x128xf32, #tpu.memory_space<hbm>>) dst(%dma_wait3A_35 : memref<96x128xf32, #tpu.memory_space<vmem>>)
    %dma_wait3A_41 = arith.constant 192 : i32
    %dma_wait3A_42 = arith.constant 0 : i32
    %dma_wait3A_43 = tpu.memref_slice %arg6[%dma_wait3A_41, %dma_wait3A_42] : memref<288x128xf32, #tpu.memory_space<vmem>> -> memref<96x128xf32, #tpu.memory_space<vmem>>
    %dma_wait3A_44 = arith.constant 192 : i32
    %dma_wait3A_45 = tpu.memref_slice %arg5[%dma_wait3A_44] : memref<288xi32, #tpu.memory_space<vmem>> -> memref<96xi32, #tpu.memory_space<vmem>>
    %dma_wait3A_46 = arith.constant 0 : i32
    %dma_wait3A_47 = arith.constant 0 : i32
    %dma_wait3A_48 = tpu.memref_slice %arg2[%dma_wait3A_46, %dma_wait3A_47] : memref<32768x128xf32, #tpu.memory_space<hbm>> -> memref<32768x128xf32, #tpu.memory_space<hbm>>
    tpu.wait_indirect_dma semaphore(%arg7 : memref<!tpu.dma_semaphore, #tpu.memory_space<semaphore_mem>>) src(%dma_wait3A_48 : memref<32768x128xf32, #tpu.memory_space<hbm>>) dst(%dma_wait3A_43 : memref<96x128xf32, #tpu.memory_space<vmem>>)
    "tpu.region"() ({
      %run_scoped3A = tpu.sem_alloc : memref<!tpu.dma_semaphore, #tpu.memory_space<semaphore_mem>>
      %dma_start3A_49 = arith.constant 0 : i32
      %dma_start3A_50 = tpu.memref_slice %arg4[%mul3A_2, %dma_start3A_49] : memref<9216x128xf32, #tpu.memory_space<hbm>> -> memref<288x128xf32, #tpu.memory_space<hbm>>
      %dma_start3A_51 = arith.constant 0 : i32
      %dma_start3A_52 = tpu.memref_slice %arg4[%mul3A_2, %dma_start3A_51] : memref<9216x128xf32, #tpu.memory_space<hbm>> -> memref<288x128xf32, #tpu.memory_space<hbm>>
      tpu.enqueue_dma source(%arg6 : memref<288x128xf32, #tpu.memory_space<vmem>>) target(%dma_start3A_52 : memref<288x128xf32, #tpu.memory_space<hbm>>) target_semaphore(%run_scoped3A : memref<!tpu.dma_semaphore, #tpu.memory_space<semaphore_mem>>)
      %dma_wait3A_53 = arith.constant 0 : i32
      %dma_wait3A_54 = tpu.memref_slice %arg4[%mul3A_2, %dma_wait3A_53] : memref<9216x128xf32, #tpu.memory_space<hbm>> -> memref<288x128xf32, #tpu.memory_space<hbm>>
      %dma_wait3A_55 = arith.constant 0 : i32
      %dma_wait3A_56 = tpu.memref_slice %arg4[%mul3A_2, %dma_wait3A_55] : memref<9216x128xf32, #tpu.memory_space<hbm>> -> memref<288x128xf32, #tpu.memory_space<hbm>>
      tpu.wait_dma2 semaphore(%run_scoped3A : memref<!tpu.dma_semaphore, #tpu.memory_space<semaphore_mem>>) src(%arg6 : memref<288x128xf32, #tpu.memory_space<vmem>>) dst(%dma_wait3A_56 : memref<288x128xf32, #tpu.memory_space<hbm>>)
      tpu.yield
    }) : () -> ()
    return
  }
}

module attributes {stable_mosaic.version = 14 : i64} {
  func.func @_extract_body(%arg0: memref<9216x128xf32, #tpu.memory_space<vmem>>, %arg1: memref<8x1152xi32, #tpu.memory_space<vmem>>, %arg2: memref<8x1152xf32, #tpu.memory_space<vmem>>) attributes {dimension_semantics = [], scalar_prefetch = 0 : i64, scratch_operands = 0 : i64, tpu.core_type = #tpu.core_type<tc>} {
    %get3A = arith.constant 0 : index
    %get3A_0 = arith.constant 0 : index
    %get3A_1 = vector.load %arg0[%get3A, %get3A_0] : memref<9216x128xf32, #tpu.memory_space<vmem>>, vector<9216x128xf32>
    %reshape3A = vector.shape_cast %get3A_1 : vector<9216x128xf32> to vector<8x1152x128xf32>
    %get3A_2 = arith.constant 0 : index
    %get3A_3 = arith.constant 0 : index
    %get3A_4 = vector.load %arg1[%get3A_2, %get3A_3] : memref<8x1152xi32, #tpu.memory_space<vmem>>, vector<8x1152xi32>
    %reshape3A_5 = vector.shape_cast %get3A_4 : vector<8x1152xi32> to vector<8x1152x1xi32>
    %iota3A = tpu.iota {dimensions = array<i32: 2>} : vector<8x1152x128xi32>
    %eq3A = vector.broadcast %reshape3A_5 : vector<8x1152x1xi32> to vector<8x1152x128xi32>
    %eq3A_6 = arith.cmpi eq, %iota3A, %eq3A : vector<8x1152x128xi32>
    %convert_element_type3A = arith.extui %eq3A_6 : vector<8x1152x128xi1> to vector<8x1152x128xi32>
    %convert_element_type3A_7 = arith.sitofp %convert_element_type3A : vector<8x1152x128xi32> to vector<8x1152x128xf32>
    %mul3A = arith.mulf %reshape3A, %convert_element_type3A_7 : vector<8x1152x128xf32>
    %reduce_sum3A = arith.constant dense<0.000000e+00> : vector<8x1152xf32>
    %reduce_sum3A_8 = vector.multi_reduction <add>, %mul3A, %reduce_sum3A [2] : vector<8x1152x128xf32> to vector<8x1152xf32>
    %swap3A = arith.constant 0 : index
    %swap3A_9 = arith.constant 0 : index
    %swap3A_10 = vector.load %arg2[%swap3A, %swap3A_9] : memref<8x1152xf32, #tpu.memory_space<vmem>>, vector<8x1152xf32>
    tpu.vector_store %arg2[%swap3A, %swap3A_9], %reduce_sum3A_8 {strides = array<i32>} : memref<8x1152xf32, #tpu.memory_space<vmem>>, vector<8x1152xf32>,
    return
  }
}

module attributes {stable_mosaic.version = 14 : i64} {
  func.func @_tc_body(%arg0: i32, %arg1: memref<128x2304xf32, #tpu.memory_space<vmem>>, %arg2: memref<8x1152xf32, #tpu.memory_space<vmem>>, %arg3: memref<128x2304xf32, #tpu.memory_space<vmem>>) attributes {dimension_semantics = [#tpu.dimension_semantics<arbitrary>], iteration_bounds = array<i64: 8>, scalar_prefetch = 0 : i64, scratch_operands = 0 : i64, tpu.core_type = #tpu.core_type<tc>, window_params = [{transform_indices = @transform_0, window_bounds = array<i64: 128, 2304>}, {pipeline_mode = #tpu.pipeline_mode<synchronous>, transform_indices = @transform_1, window_bounds = array<i64: 8, 1152>}, {transform_indices = @transform_2, window_bounds = array<i64: 128, 2304>}]} {
    %get3A = arith.constant 0 : index
    %get3A_0 = arith.constant 0 : index
    %get3A_1 = vector.load %arg1[%get3A, %get3A_0] : memref<128x2304xf32, #tpu.memory_space<vmem>>, vector<128x2304xf32>
    %get3A_2 = arith.constant 0 : index
    %get3A_3 = arith.constant 0 : index
    %get3A_4 = vector.load %arg2[%get3A_2, %get3A_3] : memref<8x1152xf32, #tpu.memory_space<vmem>>, vector<8x1152xf32>
    %slice3A = vector.extract_strided_slice %get3A_1 {offsets = [0, 0], sizes = [128, 1152], strides = [1, 1]} : vector<128x2304xf32> to vector<128x1152xf32>
    %slice3A_5 = vector.extract_strided_slice %get3A_1 {offsets = [0, 1152], sizes = [128, 1152], strides = [1, 1]} : vector<128x2304xf32> to vector<128x1152xf32>
    %slice3A_6 = vector.extract_strided_slice %slice3A {offsets = [0, 1024], sizes = [128, 1], strides = [1, 1]} : vector<128x1152xf32> to vector<128x1xf32>
    %slice3A_7 = vector.extract_strided_slice %get3A_4 {offsets = [0, 1024], sizes = [1, 1], strides = [1, 1]} : vector<8x1152xf32> to vector<1x1xf32>
    %add3A = vector.broadcast %slice3A_7 : vector<1x1xf32> to vector<128x1xf32>
    %add3A_8 = arith.addf %slice3A_6, %add3A : vector<128x1xf32>
    %slice3A_9 = vector.extract_strided_slice %slice3A_5 {offsets = [0, 1024], sizes = [128, 1], strides = [1, 1]} : vector<128x1152xf32> to vector<128x1xf32>
    %slice3A_10 = vector.extract_strided_slice %get3A_4 {offsets = [1, 1024], sizes = [1, 1], strides = [1, 1]} : vector<8x1152xf32> to vector<1x1xf32>
    %add3A_11 = vector.broadcast %slice3A_10 : vector<1x1xf32> to vector<128x1xf32>
    %add3A_12 = arith.addf %slice3A_9, %add3A_11 : vector<128x1xf32>
    %max3A = arith.maximumf %add3A_8, %add3A_12 : vector<128x1xf32>
    %sub3A = arith.subf %add3A_8, %max3A : vector<128x1xf32>
    %exp3A = math.exp %sub3A : vector<128x1xf32>
    %sub3A_13 = arith.subf %add3A_12, %max3A : vector<128x1xf32>
    %exp3A_14 = math.exp %sub3A_13 : vector<128x1xf32>
    %add3A_15 = arith.addf %exp3A, %exp3A_14 : vector<128x1xf32>
    %log3A = math.log %add3A_15 : vector<128x1xf32>
    %add3A_16 = arith.addf %max3A, %log3A : vector<128x1xf32>
    %slice3A_17 = vector.extract_strided_slice %slice3A {offsets = [0, 1024], sizes = [128, 1], strides = [1, 1]} : vector<128x1152xf32> to vector<128x1xf32>
    %slice3A_18 = vector.extract_strided_slice %get3A_4 {offsets = [2, 1024], sizes = [1, 1], strides = [1, 1]} : vector<8x1152xf32> to vector<1x1xf32>
    %add3A_19 = vector.broadcast %slice3A_18 : vector<1x1xf32> to vector<128x1xf32>
    %add3A_20 = arith.addf %slice3A_17, %add3A_19 : vector<128x1xf32>
    %slice3A_21 = vector.extract_strided_slice %slice3A_5 {offsets = [0, 1024], sizes = [128, 1], strides = [1, 1]} : vector<128x1152xf32> to vector<128x1xf32>
    %slice3A_22 = vector.extract_strided_slice %get3A_4 {offsets = [3, 1024], sizes = [1, 1], strides = [1, 1]} : vector<8x1152xf32> to vector<1x1xf32>
    %add3A_23 = vector.broadcast %slice3A_22 : vector<1x1xf32> to vector<128x1xf32>
    %add3A_24 = arith.addf %slice3A_21, %add3A_23 : vector<128x1xf32>
    %max3A_25 = arith.maximumf %add3A_20, %add3A_24 : vector<128x1xf32>
    %sub3A_26 = arith.subf %add3A_20, %max3A_25 : vector<128x1xf32>
    %exp3A_27 = math.exp %sub3A_26 : vector<128x1xf32>
    %sub3A_28 = arith.subf %add3A_24, %max3A_25 : vector<128x1xf32>
    %exp3A_29 = math.exp %sub3A_28 : vector<128x1xf32>
    %add3A_30 = arith.addf %exp3A_27, %exp3A_29 : vector<128x1xf32>
    %log3A_31 = math.log %add3A_30 : vector<128x1xf32>
    %add3A_32 = arith.addf %max3A_25, %log3A_31 : vector<128x1xf32>
    %broadcast_in_dim3A = arith.constant 0.000000e+00 : f32
    %broadcast_in_dim3A_33 = vector.broadcast %broadcast_in_dim3A : f32 to vector<128x511xf32>
    %concatenate3A = tpu.concatenate %add3A_16, %broadcast_in_dim3A_33 in 1 : vector<128x1xf32>, vector<128x511xf32> -> vector<128x512xf32>
    %concatenate3A_34 = tpu.concatenate %add3A_32, %broadcast_in_dim3A_33 in 1 : vector<128x1xf32>, vector<128x511xf32> -> vector<128x512xf32>
    %slice3A_35 = vector.extract_strided_slice %slice3A {offsets = [0, 512], sizes = [128, 512], strides = [1, 1]} : vector<128x1152xf32> to vector<128x512xf32>
    %slice3A_36 = vector.extract_strided_slice %slice3A_5 {offsets = [0, 512], sizes = [128, 512], strides = [1, 1]} : vector<128x1152xf32> to vector<128x512xf32>
    %add3A_37 = arith.addf %slice3A_35, %concatenate3A : vector<128x512xf32>
    %add3A_38 = arith.addf %slice3A_36, %concatenate3A_34 : vector<128x512xf32>
    %slice3A_39 = vector.extract_strided_slice %get3A_4 {offsets = [0, 512], sizes = [1, 512], strides = [1, 1]} : vector<8x1152xf32> to vector<1x512xf32>
    %add3A_40 = vector.broadcast %slice3A_39 : vector<1x512xf32> to vector<128x512xf32>
    %add3A_41 = arith.addf %add3A_37, %add3A_40 : vector<128x512xf32>
    %slice3A_42 = vector.extract_strided_slice %get3A_4 {offsets = [1, 512], sizes = [1, 512], strides = [1, 1]} : vector<8x1152xf32> to vector<1x512xf32>
    %add3A_43 = vector.broadcast %slice3A_42 : vector<1x512xf32> to vector<128x512xf32>
    %add3A_44 = arith.addf %add3A_38, %add3A_43 : vector<128x512xf32>
    %max3A_45 = arith.maximumf %add3A_41, %add3A_44 : vector<128x512xf32>
    %sub3A_46 = arith.subf %add3A_41, %max3A_45 : vector<128x512xf32>
    %exp3A_47 = math.exp %sub3A_46 : vector<128x512xf32>
    %sub3A_48 = arith.subf %add3A_44, %max3A_45 : vector<128x512xf32>
    %exp3A_49 = math.exp %sub3A_48 : vector<128x512xf32>
    %add3A_50 = arith.addf %exp3A_47, %exp3A_49 : vector<128x512xf32>
    %log3A_51 = math.log %add3A_50 : vector<128x512xf32>
    %add3A_52 = arith.addf %max3A_45, %log3A_51 : vector<128x512xf32>
    %slice3A_53 = vector.extract_strided_slice %get3A_4 {offsets = [2, 512], sizes = [1, 512], strides = [1, 1]} : vector<8x1152xf32> to vector<1x512xf32>
    %add3A_54 = vector.broadcast %slice3A_53 : vector<1x512xf32> to vector<128x512xf32>
    %add3A_55 = arith.addf %add3A_37, %add3A_54 : vector<128x512xf32>
    %slice3A_56 = vector.extract_strided_slice %get3A_4 {offsets = [3, 512], sizes = [1, 512], strides = [1, 1]} : vector<8x1152xf32> to vector<1x512xf32>
    %add3A_57 = vector.broadcast %slice3A_56 : vector<1x512xf32> to vector<128x512xf32>
    %add3A_58 = arith.addf %add3A_38, %add3A_57 : vector<128x512xf32>
    %max3A_59 = arith.maximumf %add3A_55, %add3A_58 : vector<128x512xf32>
    %sub3A_60 = arith.subf %add3A_55, %max3A_59 : vector<128x512xf32>
    %exp3A_61 = math.exp %sub3A_60 : vector<128x512xf32>
    %sub3A_62 = arith.subf %add3A_58, %max3A_59 : vector<128x512xf32>
    %exp3A_63 = math.exp %sub3A_62 : vector<128x512xf32>
    %add3A_64 = arith.addf %exp3A_61, %exp3A_63 : vector<128x512xf32>
    %log3A_65 = math.log %add3A_64 : vector<128x512xf32>
    %add3A_66 = arith.addf %max3A_59, %log3A_65 : vector<128x512xf32>
    %slice3A_67 = vector.extract_strided_slice %add3A_52 {offsets = [0, 0], sizes = [128, 256], strides = [1, 1]} : vector<128x512xf32> to vector<128x256xf32>
    %slice3A_68 = vector.extract_strided_slice %add3A_52 {offsets = [0, 256], sizes = [128, 256], strides = [1, 1]} : vector<128x512xf32> to vector<128x256xf32>
    %add3A_69 = arith.addf %slice3A_67, %slice3A_68 : vector<128x256xf32>
    %slice3A_70 = vector.extract_strided_slice %add3A_66 {offsets = [0, 0], sizes = [128, 256], strides = [1, 1]} : vector<128x512xf32> to vector<128x256xf32>
    %slice3A_71 = vector.extract_strided_slice %add3A_66 {offsets = [0, 256], sizes = [128, 256], strides = [1, 1]} : vector<128x512xf32> to vector<128x256xf32>
    %add3A_72 = arith.addf %slice3A_70, %slice3A_71 : vector<128x256xf32>
    %slice3A_73 = vector.extract_strided_slice %slice3A {offsets = [0, 256], sizes = [128, 256], strides = [1, 1]} : vector<128x1152xf32> to vector<128x256xf32>
    %slice3A_74 = vector.extract_strided_slice %slice3A_5 {offsets = [0, 256], sizes = [128, 256], strides = [1, 1]} : vector<128x1152xf32> to vector<128x256xf32>
    %add3A_75 = arith.addf %slice3A_73, %add3A_69 : vector<128x256xf32>
    %add3A_76 = arith.addf %slice3A_74, %add3A_72 : vector<128x256xf32>
    %slice3A_77 = vector.extract_strided_slice %get3A_4 {offsets = [0, 256], sizes = [1, 256], strides = [1, 1]} : vector<8x1152xf32> to vector<1x256xf32>
    %add3A_78 = vector.broadcast %slice3A_77 : vector<1x256xf32> to vector<128x256xf32>
    %add3A_79 = arith.addf %add3A_75, %add3A_78 : vector<128x256xf32>
    %slice3A_80 = vector.extract_strided_slice %get3A_4 {offsets = [1, 256], sizes = [1, 256], strides = [1, 1]} : vector<8x1152xf32> to vector<1x256xf32>
    %add3A_81 = vector.broadcast %slice3A_80 : vector<1x256xf32> to vector<128x256xf32>
    %add3A_82 = arith.addf %add3A_76, %add3A_81 : vector<128x256xf32>
    %max3A_83 = arith.maximumf %add3A_79, %add3A_82 : vector<128x256xf32>
    %sub3A_84 = arith.subf %add3A_79, %max3A_83 : vector<128x256xf32>
    %exp3A_85 = math.exp %sub3A_84 : vector<128x256xf32>
    %sub3A_86 = arith.subf %add3A_82, %max3A_83 : vector<128x256xf32>
    %exp3A_87 = math.exp %sub3A_86 : vector<128x256xf32>
    %add3A_88 = arith.addf %exp3A_85, %exp3A_87 : vector<128x256xf32>
    %log3A_89 = math.log %add3A_88 : vector<128x256xf32>
    %add3A_90 = arith.addf %max3A_83, %log3A_89 : vector<128x256xf32>
    %slice3A_91 = vector.extract_strided_slice %get3A_4 {offsets = [2, 256], sizes = [1, 256], strides = [1, 1]} : vector<8x1152xf32> to vector<1x256xf32>
    %add3A_92 = vector.broadcast %slice3A_91 : vector<1x256xf32> to vector<128x256xf32>
    %add3A_93 = arith.addf %add3A_75, %add3A_92 : vector<128x256xf32>
    %slice3A_94 = vector.extract_strided_slice %get3A_4 {offsets = [3, 256], sizes = [1, 256], strides = [1, 1]} : vector<8x1152xf32> to vector<1x256xf32>
    %add3A_95 = vector.broadcast %slice3A_94 : vector<1x256xf32> to vector<128x256xf32>
    %add3A_96 = arith.addf %add3A_76, %add3A_95 : vector<128x256xf32>
    %max3A_97 = arith.maximumf %add3A_93, %add3A_96 : vector<128x256xf32>
    %sub3A_98 = arith.subf %add3A_93, %max3A_97 : vector<128x256xf32>
    %exp3A_99 = math.exp %sub3A_98 : vector<128x256xf32>
    %sub3A_100 = arith.subf %add3A_96, %max3A_97 : vector<128x256xf32>
    %exp3A_101 = math.exp %sub3A_100 : vector<128x256xf32>
    %add3A_102 = arith.addf %exp3A_99, %exp3A_101 : vector<128x256xf32>
    %log3A_103 = math.log %add3A_102 : vector<128x256xf32>
    %add3A_104 = arith.addf %max3A_97, %log3A_103 : vector<128x256xf32>
    %slice3A_105 = vector.extract_strided_slice %add3A_90 {offsets = [0, 0], sizes = [128, 128], strides = [1, 1]} : vector<128x256xf32> to vector<128x128xf32>
    %slice3A_106 = vector.extract_strided_slice %add3A_90 {offsets = [0, 128], sizes = [128, 128], strides = [1, 1]} : vector<128x256xf32> to vector<128x128xf32>
    %add3A_107 = arith.addf %slice3A_105, %slice3A_106 : vector<128x128xf32>
    %slice3A_108 = vector.extract_strided_slice %add3A_104 {offsets = [0, 0], sizes = [128, 128], strides = [1, 1]} : vector<128x256xf32> to vector<128x128xf32>
    %slice3A_109 = vector.extract_strided_slice %add3A_104 {offsets = [0, 128], sizes = [128, 128], strides = [1, 1]} : vector<128x256xf32> to vector<128x128xf32>
    %add3A_110 = arith.addf %slice3A_108, %slice3A_109 : vector<128x128xf32>
    %slice3A_111 = vector.extract_strided_slice %slice3A {offsets = [0, 128], sizes = [128, 128], strides = [1, 1]} : vector<128x1152xf32> to vector<128x128xf32>
    %slice3A_112 = vector.extract_strided_slice %slice3A_5 {offsets = [0, 128], sizes = [128, 128], strides = [1, 1]} : vector<128x1152xf32> to vector<128x128xf32>
    %add3A_113 = arith.addf %slice3A_111, %add3A_107 : vector<128x128xf32>
    %add3A_114 = arith.addf %slice3A_112, %add3A_110 : vector<128x128xf32>
    %slice3A_115 = vector.extract_strided_slice %get3A_4 {offsets = [0, 128], sizes = [1, 128], strides = [1, 1]} : vector<8x1152xf32> to vector<1x128xf32>
    %add3A_116 = vector.broadcast %slice3A_115 : vector<1x128xf32> to vector<128x128xf32>
    %add3A_117 = arith.addf %add3A_113, %add3A_116 : vector<128x128xf32>
    %slice3A_118 = vector.extract_strided_slice %get3A_4 {offsets = [1, 128], sizes = [1, 128], strides = [1, 1]} : vector<8x1152xf32> to vector<1x128xf32>
    %add3A_119 = vector.broadcast %slice3A_118 : vector<1x128xf32> to vector<128x128xf32>
    %add3A_120 = arith.addf %add3A_114, %add3A_119 : vector<128x128xf32>
    %max3A_121 = arith.maximumf %add3A_117, %add3A_120 : vector<128x128xf32>
    %sub3A_122 = arith.subf %add3A_117, %max3A_121 : vector<128x128xf32>
    %exp3A_123 = math.exp %sub3A_122 : vector<128x128xf32>
    %sub3A_124 = arith.subf %add3A_120, %max3A_121 : vector<128x128xf32>
    %exp3A_125 = math.exp %sub3A_124 : vector<128x128xf32>
    %add3A_126 = arith.addf %exp3A_123, %exp3A_125 : vector<128x128xf32>
    %log3A_127 = math.log %add3A_126 : vector<128x128xf32>
    %add3A_128 = arith.addf %max3A_121, %log3A_127 : vector<128x128xf32>
    %slice3A_129 = vector.extract_strided_slice %get3A_4 {offsets = [2, 128], sizes = [1, 128], strides = [1, 1]} : vector<8x1152xf32> to vector<1x128xf32>
    %add3A_130 = vector.broadcast %slice3A_129 : vector<1x128xf32> to vector<128x128xf32>
    %add3A_131 = arith.addf %add3A_113, %add3A_130 : vector<128x128xf32>
    %slice3A_132 = vector.extract_strided_slice %get3A_4 {offsets = [3, 128], sizes = [1, 128], strides = [1, 1]} : vector<8x1152xf32> to vector<1x128xf32>
    %add3A_133 = vector.broadcast %slice3A_132 : vector<1x128xf32> to vector<128x128xf32>
    %add3A_134 = arith.addf %add3A_114, %add3A_133 : vector<128x128xf32>
    %max3A_135 = arith.maximumf %add3A_131, %add3A_134 : vector<128x128xf32>
    %sub3A_136 = arith.subf %add3A_131, %max3A_135 : vector<128x128xf32>
    %exp3A_137 = math.exp %sub3A_136 : vector<128x128xf32>
    %sub3A_138 = arith.subf %add3A_134, %max3A_135 : vector<128x128xf32>
    %exp3A_139 = math.exp %sub3A_138 : vector<128x128xf32>
    %add3A_140 = arith.addf %exp3A_137, %exp3A_139 : vector<128x128xf32>
    %log3A_141 = math.log %add3A_140 : vector<128x128xf32>
    %add3A_142 = arith.addf %max3A_135, %log3A_141 : vector<128x128xf32>
    %slice3A_143 = vector.extract_strided_slice %add3A_128 {offsets = [0, 0], sizes = [128, 64], strides = [1, 1]} : vector<128x128xf32> to vector<128x64xf32>
    %slice3A_144 = vector.extract_strided_slice %add3A_128 {offsets = [0, 64], sizes = [128, 64], strides = [1, 1]} : vector<128x128xf32> to vector<128x64xf32>
    %add3A_145 = arith.addf %slice3A_143, %slice3A_144 : vector<128x64xf32>
    %slice3A_146 = vector.extract_strided_slice %add3A_142 {offsets = [0, 0], sizes = [128, 64], strides = [1, 1]} : vector<128x128xf32> to vector<128x64xf32>
    %slice3A_147 = vector.extract_strided_slice %add3A_142 {offsets = [0, 64], sizes = [128, 64], strides = [1, 1]} : vector<128x128xf32> to vector<128x64xf32>
    %add3A_148 = arith.addf %slice3A_146, %slice3A_147 : vector<128x64xf32>
    %slice3A_149 = vector.extract_strided_slice %slice3A {offsets = [0, 63], sizes = [128, 64], strides = [1, 1]} : vector<128x1152xf32> to vector<128x64xf32>
    %slice3A_150 = vector.extract_strided_slice %slice3A_5 {offsets = [0, 63], sizes = [128, 64], strides = [1, 1]} : vector<128x1152xf32> to vector<128x64xf32>
    %add3A_151 = arith.addf %slice3A_149, %add3A_145 : vector<128x64xf32>
    %add3A_152 = arith.addf %slice3A_150, %add3A_148 : vector<128x64xf32>
    %slice3A_153 = vector.extract_strided_slice %get3A_4 {offsets = [0, 63], sizes = [1, 64], strides = [1, 1]} : vector<8x1152xf32> to vector<1x64xf32>
    %add3A_154 = vector.broadcast %slice3A_153 : vector<1x64xf32> to vector<128x64xf32>
    %add3A_155 = arith.addf %add3A_151, %add3A_154 : vector<128x64xf32>
    %slice3A_156 = vector.extract_strided_slice %get3A_4 {offsets = [1, 63], sizes = [1, 64], strides = [1, 1]} : vector<8x1152xf32> to vector<1x64xf32>
    %add3A_157 = vector.broadcast %slice3A_156 : vector<1x64xf32> to vector<128x64xf32>
    %add3A_158 = arith.addf %add3A_152, %add3A_157 : vector<128x64xf32>
    %max3A_159 = arith.maximumf %add3A_155, %add3A_158 : vector<128x64xf32>
    %sub3A_160 = arith.subf %add3A_155, %max3A_159 : vector<128x64xf32>
    %exp3A_161 = math.exp %sub3A_160 : vector<128x64xf32>
    %sub3A_162 = arith.subf %add3A_158, %max3A_159 : vector<128x64xf32>
    %exp3A_163 = math.exp %sub3A_162 : vector<128x64xf32>
    %add3A_164 = arith.addf %exp3A_161, %exp3A_163 : vector<128x64xf32>
    %log3A_165 = math.log %add3A_164 : vector<128x64xf32>
    %add3A_166 = arith.addf %max3A_159, %log3A_165 : vector<128x64xf32>
    %slice3A_167 = vector.extract_strided_slice %get3A_4 {offsets = [2, 63], sizes = [1, 64], strides = [1, 1]} : vector<8x1152xf32> to vector<1x64xf32>
    %add3A_168 = vector.broadcast %slice3A_167 : vector<1x64xf32> to vector<128x64xf32>
    %add3A_169 = arith.addf %add3A_151, %add3A_168 : vector<128x64xf32>
    %slice3A_170 = vector.extract_strided_slice %get3A_4 {offsets = [3, 63], sizes = [1, 64], strides = [1, 1]} : vector<8x1152xf32> to vector<1x64xf32>
    %add3A_171 = vector.broadcast %slice3A_170 : vector<1x64xf32> to vector<128x64xf32>
    %add3A_172 = arith.addf %add3A_152, %add3A_171 : vector<128x64xf32>
    %max3A_173 = arith.maximumf %add3A_169, %add3A_172 : vector<128x64xf32>
    %sub3A_174 = arith.subf %add3A_169, %max3A_173 : vector<128x64xf32>
    %exp3A_175 = math.exp %sub3A_174 : vector<128x64xf32>
    %sub3A_176 = arith.subf %add3A_172, %max3A_173 : vector<128x64xf32>
    %exp3A_177 = math.exp %sub3A_176 : vector<128x64xf32>
    %add3A_178 = arith.addf %exp3A_175, %exp3A_177 : vector<128x64xf32>
    %log3A_179 = math.log %add3A_178 : vector<128x64xf32>
    %add3A_180 = arith.addf %max3A_173, %log3A_179 : vector<128x64xf32>
    %slice3A_181 = vector.extract_strided_slice %add3A_166 {offsets = [0, 0], sizes = [128, 32], strides = [1, 1]} : vector<128x64xf32> to vector<128x32xf32>
    %slice3A_182 = vector.extract_strided_slice %add3A_166 {offsets = [0, 32], sizes = [128, 32], strides = [1, 1]} : vector<128x64xf32> to vector<128x32xf32>
    %add3A_183 = arith.addf %slice3A_181, %slice3A_182 : vector<128x32xf32>
    %slice3A_184 = vector.extract_strided_slice %add3A_180 {offsets = [0, 0], sizes = [128, 32], strides = [1, 1]} : vector<128x64xf32> to vector<128x32xf32>
    %slice3A_185 = vector.extract_strided_slice %add3A_180 {offsets = [0, 32], sizes = [128, 32], strides = [1, 1]} : vector<128x64xf32> to vector<128x32xf32>
    %add3A_186 = arith.addf %slice3A_184, %slice3A_185 : vector<128x32xf32>
    %slice3A_187 = vector.extract_strided_slice %slice3A {offsets = [0, 31], sizes = [128, 32], strides = [1, 1]} : vector<128x1152xf32> to vector<128x32xf32>
    %slice3A_188 = vector.extract_strided_slice %slice3A_5 {offsets = [0, 31], sizes = [128, 32], strides = [1, 1]} : vector<128x1152xf32> to vector<128x32xf32>
    %add3A_189 = arith.addf %slice3A_187, %add3A_183 : vector<128x32xf32>
    %add3A_190 = arith.addf %slice3A_188, %add3A_186 : vector<128x32xf32>
    %slice3A_191 = vector.extract_strided_slice %get3A_4 {offsets = [0, 31], sizes = [1, 32], strides = [1, 1]} : vector<8x1152xf32> to vector<1x32xf32>
    %add3A_192 = vector.broadcast %slice3A_191 : vector<1x32xf32> to vector<128x32xf32>
    %add3A_193 = arith.addf %add3A_189, %add3A_192 : vector<128x32xf32>
    %slice3A_194 = vector.extract_strided_slice %get3A_4 {offsets = [1, 31], sizes = [1, 32], strides = [1, 1]} : vector<8x1152xf32> to vector<1x32xf32>
    %add3A_195 = vector.broadcast %slice3A_194 : vector<1x32xf32> to vector<128x32xf32>
    %add3A_196 = arith.addf %add3A_190, %add3A_195 : vector<128x32xf32>
    %max3A_197 = arith.maximumf %add3A_193, %add3A_196 : vector<128x32xf32>
    %sub3A_198 = arith.subf %add3A_193, %max3A_197 : vector<128x32xf32>
    %exp3A_199 = math.exp %sub3A_198 : vector<128x32xf32>
    %sub3A_200 = arith.subf %add3A_196, %max3A_197 : vector<128x32xf32>
    %exp3A_201 = math.exp %sub3A_200 : vector<128x32xf32>
    %add3A_202 = arith.addf %exp3A_199, %exp3A_201 : vector<128x32xf32>
    %log3A_203 = math.log %add3A_202 : vector<128x32xf32>
    %add3A_204 = arith.addf %max3A_197, %log3A_203 : vector<128x32xf32>
    %slice3A_205 = vector.extract_strided_slice %get3A_4 {offsets = [2, 31], sizes = [1, 32], strides = [1, 1]} : vector<8x1152xf32> to vector<1x32xf32>
    %add3A_206 = vector.broadcast %slice3A_205 : vector<1x32xf32> to vector<128x32xf32>
    %add3A_207 = arith.addf %add3A_189, %add3A_206 : vector<128x32xf32>
    %slice3A_208 = vector.extract_strided_slice %get3A_4 {offsets = [3, 31], sizes = [1, 32], strides = [1, 1]} : vector<8x1152xf32> to vector<1x32xf32>
    %add3A_209 = vector.broadcast %slice3A_208 : vector<1x32xf32> to vector<128x32xf32>
    %add3A_210 = arith.addf %add3A_190, %add3A_209 : vector<128x32xf32>
    %max3A_211 = arith.maximumf %add3A_207, %add3A_210 : vector<128x32xf32>
    %sub3A_212 = arith.subf %add3A_207, %max3A_211 : vector<128x32xf32>
    %exp3A_213 = math.exp %sub3A_212 : vector<128x32xf32>
    %sub3A_214 = arith.subf %add3A_210, %max3A_211 : vector<128x32xf32>
    %exp3A_215 = math.exp %sub3A_214 : vector<128x32xf32>
    %add3A_216 = arith.addf %exp3A_213, %exp3A_215 : vector<128x32xf32>
    %log3A_217 = math.log %add3A_216 : vector<128x32xf32>
    %add3A_218 = arith.addf %max3A_211, %log3A_217 : vector<128x32xf32>
    %slice3A_219 = vector.extract_strided_slice %add3A_204 {offsets = [0, 0], sizes = [128, 16], strides = [1, 1]} : vector<128x32xf32> to vector<128x16xf32>
    %slice3A_220 = vector.extract_strided_slice %add3A_204 {offsets = [0, 16], sizes = [128, 16], strides = [1, 1]} : vector<128x32xf32> to vector<128x16xf32>
    %add3A_221 = arith.addf %slice3A_219, %slice3A_220 : vector<128x16xf32>
    %slice3A_222 = vector.extract_strided_slice %add3A_218 {offsets = [0, 0], sizes = [128, 16], strides = [1, 1]} : vector<128x32xf32> to vector<128x16xf32>
    %slice3A_223 = vector.extract_strided_slice %add3A_218 {offsets = [0, 16], sizes = [128, 16], strides = [1, 1]} : vector<128x32xf32> to vector<128x16xf32>
    %add3A_224 = arith.addf %slice3A_222, %slice3A_223 : vector<128x16xf32>
    %slice3A_225 = vector.extract_strided_slice %slice3A {offsets = [0, 15], sizes = [128, 16], strides = [1, 1]} : vector<128x1152xf32> to vector<128x16xf32>
    %slice3A_226 = vector.extract_strided_slice %slice3A_5 {offsets = [0, 15], sizes = [128, 16], strides = [1, 1]} : vector<128x1152xf32> to vector<128x16xf32>
    %add3A_227 = arith.addf %slice3A_225, %add3A_221 : vector<128x16xf32>
    %add3A_228 = arith.addf %slice3A_226, %add3A_224 : vector<128x16xf32>
    %slice3A_229 = vector.extract_strided_slice %get3A_4 {offsets = [0, 15], sizes = [1, 16], strides = [1, 1]} : vector<8x1152xf32> to vector<1x16xf32>
    %add3A_230 = vector.broadcast %slice3A_229 : vector<1x16xf32> to vector<128x16xf32>
    %add3A_231 = arith.addf %add3A_227, %add3A_230 : vector<128x16xf32>
    %slice3A_232 = vector.extract_strided_slice %get3A_4 {offsets = [1, 15], sizes = [1, 16], strides = [1, 1]} : vector<8x1152xf32> to vector<1x16xf32>
    %add3A_233 = vector.broadcast %slice3A_232 : vector<1x16xf32> to vector<128x16xf32>
    %add3A_234 = arith.addf %add3A_228, %add3A_233 : vector<128x16xf32>
    %max3A_235 = arith.maximumf %add3A_231, %add3A_234 : vector<128x16xf32>
    %sub3A_236 = arith.subf %add3A_231, %max3A_235 : vector<128x16xf32>
    %exp3A_237 = math.exp %sub3A_236 : vector<128x16xf32>
    %sub3A_238 = arith.subf %add3A_234, %max3A_235 : vector<128x16xf32>
    %exp3A_239 = math.exp %sub3A_238 : vector<128x16xf32>
    %add3A_240 = arith.addf %exp3A_237, %exp3A_239 : vector<128x16xf32>
    %log3A_241 = math.log %add3A_240 : vector<128x16xf32>
    %add3A_242 = arith.addf %max3A_235, %log3A_241 : vector<128x16xf32>
    %slice3A_243 = vector.extract_strided_slice %get3A_4 {offsets = [2, 15], sizes = [1, 16], strides = [1, 1]} : vector<8x1152xf32> to vector<1x16xf32>
    %add3A_244 = vector.broadcast %slice3A_243 : vector<1x16xf32> to vector<128x16xf32>
    %add3A_245 = arith.addf %add3A_227, %add3A_244 : vector<128x16xf32>
    %slice3A_246 = vector.extract_strided_slice %get3A_4 {offsets = [3, 15], sizes = [1, 16], strides = [1, 1]} : vector<8x1152xf32> to vector<1x16xf32>
    %add3A_247 = vector.broadcast %slice3A_246 : vector<1x16xf32> to vector<128x16xf32>
    %add3A_248 = arith.addf %add3A_228, %add3A_247 : vector<128x16xf32>
    %max3A_249 = arith.maximumf %add3A_245, %add3A_248 : vector<128x16xf32>
    %sub3A_250 = arith.subf %add3A_245, %max3A_249 : vector<128x16xf32>
    %exp3A_251 = math.exp %sub3A_250 : vector<128x16xf32>
    %sub3A_252 = arith.subf %add3A_248, %max3A_249 : vector<128x16xf32>
    %exp3A_253 = math.exp %sub3A_252 : vector<128x16xf32>
    %add3A_254 = arith.addf %exp3A_251, %exp3A_253 : vector<128x16xf32>
    %log3A_255 = math.log %add3A_254 : vector<128x16xf32>
    %add3A_256 = arith.addf %max3A_249, %log3A_255 : vector<128x16xf32>
    %slice3A_257 = vector.extract_strided_slice %add3A_242 {offsets = [0, 0], sizes = [128, 8], strides = [1, 1]} : vector<128x16xf32> to vector<128x8xf32>
    %slice3A_258 = vector.extract_strided_slice %add3A_242 {offsets = [0, 8], sizes = [128, 8], strides = [1, 1]} : vector<128x16xf32> to vector<128x8xf32>
    %add3A_259 = arith.addf %slice3A_257, %slice3A_258 : vector<128x8xf32>
    %slice3A_260 = vector.extract_strided_slice %add3A_256 {offsets = [0, 0], sizes = [128, 8], strides = [1, 1]} : vector<128x16xf32> to vector<128x8xf32>
    %slice3A_261 = vector.extract_strided_slice %add3A_256 {offsets = [0, 8], sizes = [128, 8], strides = [1, 1]} : vector<128x16xf32> to vector<128x8xf32>
    %add3A_262 = arith.addf %slice3A_260, %slice3A_261 : vector<128x8xf32>
    %slice3A_263 = vector.extract_strided_slice %slice3A {offsets = [0, 7], sizes = [128, 8], strides = [1, 1]} : vector<128x1152xf32> to vector<128x8xf32>
    %slice3A_264 = vector.extract_strided_slice %slice3A_5 {offsets = [0, 7], sizes = [128, 8], strides = [1, 1]} : vector<128x1152xf32> to vector<128x8xf32>
    %add3A_265 = arith.addf %slice3A_263, %add3A_259 : vector<128x8xf32>
    %add3A_266 = arith.addf %slice3A_264, %add3A_262 : vector<128x8xf32>
    %slice3A_267 = vector.extract_strided_slice %get3A_4 {offsets = [0, 7], sizes = [1, 8], strides = [1, 1]} : vector<8x1152xf32> to vector<1x8xf32>
    %add3A_268 = vector.broadcast %slice3A_267 : vector<1x8xf32> to vector<128x8xf32>
    %add3A_269 = arith.addf %add3A_265, %add3A_268 : vector<128x8xf32>
    %slice3A_270 = vector.extract_strided_slice %get3A_4 {offsets = [1, 7], sizes = [1, 8], strides = [1, 1]} : vector<8x1152xf32> to vector<1x8xf32>
    %add3A_271 = vector.broadcast %slice3A_270 : vector<1x8xf32> to vector<128x8xf32>
    %add3A_272 = arith.addf %add3A_266, %add3A_271 : vector<128x8xf32>
    %max3A_273 = arith.maximumf %add3A_269, %add3A_272 : vector<128x8xf32>
    %sub3A_274 = arith.subf %add3A_269, %max3A_273 : vector<128x8xf32>
    %exp3A_275 = math.exp %sub3A_274 : vector<128x8xf32>
    %sub3A_276 = arith.subf %add3A_272, %max3A_273 : vector<128x8xf32>
    %exp3A_277 = math.exp %sub3A_276 : vector<128x8xf32>
    %add3A_278 = arith.addf %exp3A_275, %exp3A_277 : vector<128x8xf32>
    %log3A_279 = math.log %add3A_278 : vector<128x8xf32>
    %add3A_280 = arith.addf %max3A_273, %log3A_279 : vector<128x8xf32>
    %slice3A_281 = vector.extract_strided_slice %get3A_4 {offsets = [2, 7], sizes = [1, 8], strides = [1, 1]} : vector<8x1152xf32> to vector<1x8xf32>
    %add3A_282 = vector.broadcast %slice3A_281 : vector<1x8xf32> to vector<128x8xf32>
    %add3A_283 = arith.addf %add3A_265, %add3A_282 : vector<128x8xf32>
    %slice3A_284 = vector.extract_strided_slice %get3A_4 {offsets = [3, 7], sizes = [1, 8], strides = [1, 1]} : vector<8x1152xf32> to vector<1x8xf32>
    %add3A_285 = vector.broadcast %slice3A_284 : vector<1x8xf32> to vector<128x8xf32>
    %add3A_286 = arith.addf %add3A_266, %add3A_285 : vector<128x8xf32>
    %max3A_287 = arith.maximumf %add3A_283, %add3A_286 : vector<128x8xf32>
    %sub3A_288 = arith.subf %add3A_283, %max3A_287 : vector<128x8xf32>
    %exp3A_289 = math.exp %sub3A_288 : vector<128x8xf32>
    %sub3A_290 = arith.subf %add3A_286, %max3A_287 : vector<128x8xf32>
    %exp3A_291 = math.exp %sub3A_290 : vector<128x8xf32>
    %add3A_292 = arith.addf %exp3A_289, %exp3A_291 : vector<128x8xf32>
    %log3A_293 = math.log %add3A_292 : vector<128x8xf32>
    %add3A_294 = arith.addf %max3A_287, %log3A_293 : vector<128x8xf32>
    %slice3A_295 = vector.extract_strided_slice %add3A_280 {offsets = [0, 0], sizes = [128, 4], strides = [1, 1]} : vector<128x8xf32> to vector<128x4xf32>
    %slice3A_296 = vector.extract_strided_slice %add3A_280 {offsets = [0, 4], sizes = [128, 4], strides = [1, 1]} : vector<128x8xf32> to vector<128x4xf32>
    %add3A_297 = arith.addf %slice3A_295, %slice3A_296 : vector<128x4xf32>
    %slice3A_298 = vector.extract_strided_slice %add3A_294 {offsets = [0, 0], sizes = [128, 4], strides = [1, 1]} : vector<128x8xf32> to vector<128x4xf32>
    %slice3A_299 = vector.extract_strided_slice %add3A_294 {offsets = [0, 4], sizes = [128, 4], strides = [1, 1]} : vector<128x8xf32> to vector<128x4xf32>
    %add3A_300 = arith.addf %slice3A_298, %slice3A_299 : vector<128x4xf32>
    %slice3A_301 = vector.extract_strided_slice %slice3A {offsets = [0, 3], sizes = [128, 4], strides = [1, 1]} : vector<128x1152xf32> to vector<128x4xf32>
    %slice3A_302 = vector.extract_strided_slice %slice3A_5 {offsets = [0, 3], sizes = [128, 4], strides = [1, 1]} : vector<128x1152xf32> to vector<128x4xf32>
    %add3A_303 = arith.addf %slice3A_301, %add3A_297 : vector<128x4xf32>
    %add3A_304 = arith.addf %slice3A_302, %add3A_300 : vector<128x4xf32>
    %slice3A_305 = vector.extract_strided_slice %get3A_4 {offsets = [0, 3], sizes = [1, 4], strides = [1, 1]} : vector<8x1152xf32> to vector<1x4xf32>
    %add3A_306 = vector.broadcast %slice3A_305 : vector<1x4xf32> to vector<128x4xf32>
    %add3A_307 = arith.addf %add3A_303, %add3A_306 : vector<128x4xf32>
    %slice3A_308 = vector.extract_strided_slice %get3A_4 {offsets = [1, 3], sizes = [1, 4], strides = [1, 1]} : vector<8x1152xf32> to vector<1x4xf32>
    %add3A_309 = vector.broadcast %slice3A_308 : vector<1x4xf32> to vector<128x4xf32>
    %add3A_310 = arith.addf %add3A_304, %add3A_309 : vector<128x4xf32>
    %max3A_311 = arith.maximumf %add3A_307, %add3A_310 : vector<128x4xf32>
    %sub3A_312 = arith.subf %add3A_307, %max3A_311 : vector<128x4xf32>
    %exp3A_313 = math.exp %sub3A_312 : vector<128x4xf32>
    %sub3A_314 = arith.subf %add3A_310, %max3A_311 : vector<128x4xf32>
    %exp3A_315 = math.exp %sub3A_314 : vector<128x4xf32>
    %add3A_316 = arith.addf %exp3A_313, %exp3A_315 : vector<128x4xf32>
    %log3A_317 = math.log %add3A_316 : vector<128x4xf32>
    %add3A_318 = arith.addf %max3A_311, %log3A_317 : vector<128x4xf32>
    %slice3A_319 = vector.extract_strided_slice %get3A_4 {offsets = [2, 3], sizes = [1, 4], strides = [1, 1]} : vector<8x1152xf32> to vector<1x4xf32>
    %add3A_320 = vector.broadcast %slice3A_319 : vector<1x4xf32> to vector<128x4xf32>
    %add3A_321 = arith.addf %add3A_303, %add3A_320 : vector<128x4xf32>
    %slice3A_322 = vector.extract_strided_slice %get3A_4 {offsets = [3, 3], sizes = [1, 4], strides = [1, 1]} : vector<8x1152xf32> to vector<1x4xf32>
    %add3A_323 = vector.broadcast %slice3A_322 : vector<1x4xf32> to vector<128x4xf32>
    %add3A_324 = arith.addf %add3A_304, %add3A_323 : vector<128x4xf32>
    %max3A_325 = arith.maximumf %add3A_321, %add3A_324 : vector<128x4xf32>
    %sub3A_326 = arith.subf %add3A_321, %max3A_325 : vector<128x4xf32>
    %exp3A_327 = math.exp %sub3A_326 : vector<128x4xf32>
    %sub3A_328 = arith.subf %add3A_324, %max3A_325 : vector<128x4xf32>
    %exp3A_329 = math.exp %sub3A_328 : vector<128x4xf32>
    %add3A_330 = arith.addf %exp3A_327, %exp3A_329 : vector<128x4xf32>
    %log3A_331 = math.log %add3A_330 : vector<128x4xf32>
    %add3A_332 = arith.addf %max3A_325, %log3A_331 : vector<128x4xf32>
    %slice3A_333 = vector.extract_strided_slice %add3A_318 {offsets = [0, 0], sizes = [128, 2], strides = [1, 1]} : vector<128x4xf32> to vector<128x2xf32>
    %slice3A_334 = vector.extract_strided_slice %add3A_318 {offsets = [0, 2], sizes = [128, 2], strides = [1, 1]} : vector<128x4xf32> to vector<128x2xf32>
    %add3A_335 = arith.addf %slice3A_333, %slice3A_334 : vector<128x2xf32>
    %slice3A_336 = vector.extract_strided_slice %add3A_332 {offsets = [0, 0], sizes = [128, 2], strides = [1, 1]} : vector<128x4xf32> to vector<128x2xf32>
    %slice3A_337 = vector.extract_strided_slice %add3A_332 {offsets = [0, 2], sizes = [128, 2], strides = [1, 1]} : vector<128x4xf32> to vector<128x2xf32>
    %add3A_338 = arith.addf %slice3A_336, %slice3A_337 : vector<128x2xf32>
    %slice3A_339 = vector.extract_strided_slice %slice3A {offsets = [0, 1], sizes = [128, 2], strides = [1, 1]} : vector<128x1152xf32> to vector<128x2xf32>
    %slice3A_340 = vector.extract_strided_slice %slice3A_5 {offsets = [0, 1], sizes = [128, 2], strides = [1, 1]} : vector<128x1152xf32> to vector<128x2xf32>
    %add3A_341 = arith.addf %slice3A_339, %add3A_335 : vector<128x2xf32>
    %add3A_342 = arith.addf %slice3A_340, %add3A_338 : vector<128x2xf32>
    %slice3A_343 = vector.extract_strided_slice %get3A_4 {offsets = [0, 1], sizes = [1, 2], strides = [1, 1]} : vector<8x1152xf32> to vector<1x2xf32>
    %add3A_344 = vector.broadcast %slice3A_343 : vector<1x2xf32> to vector<128x2xf32>
    %add3A_345 = arith.addf %add3A_341, %add3A_344 : vector<128x2xf32>
    %slice3A_346 = vector.extract_strided_slice %get3A_4 {offsets = [1, 1], sizes = [1, 2], strides = [1, 1]} : vector<8x1152xf32> to vector<1x2xf32>
    %add3A_347 = vector.broadcast %slice3A_346 : vector<1x2xf32> to vector<128x2xf32>
    %add3A_348 = arith.addf %add3A_342, %add3A_347 : vector<128x2xf32>
    %max3A_349 = arith.maximumf %add3A_345, %add3A_348 : vector<128x2xf32>
    %sub3A_350 = arith.subf %add3A_345, %max3A_349 : vector<128x2xf32>
    %exp3A_351 = math.exp %sub3A_350 : vector<128x2xf32>
    %sub3A_352 = arith.subf %add3A_348, %max3A_349 : vector<128x2xf32>
    %exp3A_353 = math.exp %sub3A_352 : vector<128x2xf32>
    %add3A_354 = arith.addf %exp3A_351, %exp3A_353 : vector<128x2xf32>
    %log3A_355 = math.log %add3A_354 : vector<128x2xf32>
    %add3A_356 = arith.addf %max3A_349, %log3A_355 : vector<128x2xf32>
    %slice3A_357 = vector.extract_strided_slice %get3A_4 {offsets = [2, 1], sizes = [1, 2], strides = [1, 1]} : vector<8x1152xf32> to vector<1x2xf32>
    %add3A_358 = vector.broadcast %slice3A_357 : vector<1x2xf32> to vector<128x2xf32>
    %add3A_359 = arith.addf %add3A_341, %add3A_358 : vector<128x2xf32>
    %slice3A_360 = vector.extract_strided_slice %get3A_4 {offsets = [3, 1], sizes = [1, 2], strides = [1, 1]} : vector<8x1152xf32> to vector<1x2xf32>
    %add3A_361 = vector.broadcast %slice3A_360 : vector<1x2xf32> to vector<128x2xf32>
    %add3A_362 = arith.addf %add3A_342, %add3A_361 : vector<128x2xf32>
    %max3A_363 = arith.maximumf %add3A_359, %add3A_362 : vector<128x2xf32>
    %sub3A_364 = arith.subf %add3A_359, %max3A_363 : vector<128x2xf32>
    %exp3A_365 = math.exp %sub3A_364 : vector<128x2xf32>
    %sub3A_366 = arith.subf %add3A_362, %max3A_363 : vector<128x2xf32>
    %exp3A_367 = math.exp %sub3A_366 : vector<128x2xf32>
    %add3A_368 = arith.addf %exp3A_365, %exp3A_367 : vector<128x2xf32>
    %log3A_369 = math.log %add3A_368 : vector<128x2xf32>
    %add3A_370 = arith.addf %max3A_363, %log3A_369 : vector<128x2xf32>
    %slice3A_371 = vector.extract_strided_slice %add3A_356 {offsets = [0, 0], sizes = [128, 1], strides = [1, 1]} : vector<128x2xf32> to vector<128x1xf32>
    %slice3A_372 = vector.extract_strided_slice %add3A_356 {offsets = [0, 1], sizes = [128, 1], strides = [1, 1]} : vector<128x2xf32> to vector<128x1xf32>
    %add3A_373 = arith.addf %slice3A_371, %slice3A_372 : vector<128x1xf32>
    %slice3A_374 = vector.extract_strided_slice %add3A_370 {offsets = [0, 0], sizes = [128, 1], strides = [1, 1]} : vector<128x2xf32> to vector<128x1xf32>
    %slice3A_375 = vector.extract_strided_slice %add3A_370 {offsets = [0, 1], sizes = [128, 1], strides = [1, 1]} : vector<128x2xf32> to vector<128x1xf32>
    %add3A_376 = arith.addf %slice3A_374, %slice3A_375 : vector<128x1xf32>
    %broadcast_in_dim3A_377 = arith.constant 0.000000e+00 : f32
    %broadcast_in_dim3A_378 = vector.broadcast %broadcast_in_dim3A_377 : f32 to vector<128x1xf32>
    %broadcast_in_dim3A_379 = arith.constant 0.000000e+00 : f32
    %broadcast_in_dim3A_380 = vector.broadcast %broadcast_in_dim3A_379 : f32 to vector<128x1xf32>
    %slice3A_381 = vector.extract_strided_slice %slice3A {offsets = [0, 0], sizes = [128, 1], strides = [1, 1]} : vector<128x1152xf32> to vector<128x1xf32>
    %add3A_382 = arith.addf %slice3A_381, %broadcast_in_dim3A_378 : vector<128x1xf32>
    %slice3A_383 = vector.extract_strided_slice %slice3A_5 {offsets = [0, 0], sizes = [128, 1], strides = [1, 1]} : vector<128x1152xf32> to vector<128x1xf32>
    %add3A_384 = arith.addf %slice3A_383, %broadcast_in_dim3A_380 : vector<128x1xf32>
    %concatenate3A_385 = tpu.concatenate %add3A_382, %add3A_382 in 1 : vector<128x1xf32>, vector<128x1xf32> -> vector<128x2xf32>
    %concatenate3A_386 = tpu.concatenate %add3A_384, %add3A_384 in 1 : vector<128x1xf32>, vector<128x1xf32> -> vector<128x2xf32>
    %slice3A_387 = vector.extract_strided_slice %get3A_4 {offsets = [4, 1], sizes = [1, 2], strides = [1, 1]} : vector<8x1152xf32> to vector<1x2xf32>
    %add3A_388 = vector.broadcast %slice3A_387 : vector<1x2xf32> to vector<128x2xf32>
    %add3A_389 = arith.addf %concatenate3A_385, %add3A_388 : vector<128x2xf32>
    %slice3A_390 = vector.extract_strided_slice %get3A_4 {offsets = [5, 1], sizes = [1, 2], strides = [1, 1]} : vector<8x1152xf32> to vector<1x2xf32>
    %add3A_391 = vector.broadcast %slice3A_390 : vector<1x2xf32> to vector<128x2xf32>
    %add3A_392 = arith.addf %concatenate3A_386, %add3A_391 : vector<128x2xf32>
    %max3A_393 = arith.maximumf %add3A_389, %add3A_392 : vector<128x2xf32>
    %sub3A_394 = arith.subf %add3A_389, %max3A_393 : vector<128x2xf32>
    %exp3A_395 = math.exp %sub3A_394 : vector<128x2xf32>
    %sub3A_396 = arith.subf %add3A_392, %max3A_393 : vector<128x2xf32>
    %exp3A_397 = math.exp %sub3A_396 : vector<128x2xf32>
    %add3A_398 = arith.addf %exp3A_395, %exp3A_397 : vector<128x2xf32>
    %log3A_399 = math.log %add3A_398 : vector<128x2xf32>
    %add3A_400 = arith.addf %max3A_393, %log3A_399 : vector<128x2xf32>
    %slice3A_401 = vector.extract_strided_slice %get3A_4 {offsets = [6, 1], sizes = [1, 2], strides = [1, 1]} : vector<8x1152xf32> to vector<1x2xf32>
    %add3A_402 = vector.broadcast %slice3A_401 : vector<1x2xf32> to vector<128x2xf32>
    %add3A_403 = arith.addf %concatenate3A_385, %add3A_402 : vector<128x2xf32>
    %slice3A_404 = vector.extract_strided_slice %get3A_4 {offsets = [7, 1], sizes = [1, 2], strides = [1, 1]} : vector<8x1152xf32> to vector<1x2xf32>
    %add3A_405 = vector.broadcast %slice3A_404 : vector<1x2xf32> to vector<128x2xf32>
    %add3A_406 = arith.addf %concatenate3A_386, %add3A_405 : vector<128x2xf32>
    %max3A_407 = arith.maximumf %add3A_403, %add3A_406 : vector<128x2xf32>
    %sub3A_408 = arith.subf %add3A_403, %max3A_407 : vector<128x2xf32>
    %exp3A_409 = math.exp %sub3A_408 : vector<128x2xf32>
    %sub3A_410 = arith.subf %add3A_406, %max3A_407 : vector<128x2xf32>
    %exp3A_411 = math.exp %sub3A_410 : vector<128x2xf32>
    %add3A_412 = arith.addf %exp3A_409, %exp3A_411 : vector<128x2xf32>
    %log3A_413 = math.log %add3A_412 : vector<128x2xf32>
    %add3A_414 = arith.addf %max3A_407, %log3A_413 : vector<128x2xf32>
    %slice3A_415 = vector.extract_strided_slice %slice3A {offsets = [0, 1], sizes = [128, 2], strides = [1, 1]} : vector<128x1152xf32> to vector<128x2xf32>
    %add3A_416 = arith.addf %slice3A_415, %add3A_400 : vector<128x2xf32>
    %slice3A_417 = vector.extract_strided_slice %slice3A_5 {offsets = [0, 1], sizes = [128, 2], strides = [1, 1]} : vector<128x1152xf32> to vector<128x2xf32>
    %add3A_418 = arith.addf %slice3A_417, %add3A_414 : vector<128x2xf32>
    %concatenate3A_419 = tpu.concatenate %add3A_416, %add3A_416 in 1 : vector<128x2xf32>, vector<128x2xf32> -> vector<128x4xf32>
    %concatenate3A_420 = tpu.concatenate %add3A_418, %add3A_418 in 1 : vector<128x2xf32>, vector<128x2xf32> -> vector<128x4xf32>
    %slice3A_421 = vector.extract_strided_slice %get3A_4 {offsets = [4, 3], sizes = [1, 4], strides = [1, 1]} : vector<8x1152xf32> to vector<1x4xf32>
    %add3A_422 = vector.broadcast %slice3A_421 : vector<1x4xf32> to vector<128x4xf32>
    %add3A_423 = arith.addf %concatenate3A_419, %add3A_422 : vector<128x4xf32>
    %slice3A_424 = vector.extract_strided_slice %get3A_4 {offsets = [5, 3], sizes = [1, 4], strides = [1, 1]} : vector<8x1152xf32> to vector<1x4xf32>
    %add3A_425 = vector.broadcast %slice3A_424 : vector<1x4xf32> to vector<128x4xf32>
    %add3A_426 = arith.addf %concatenate3A_420, %add3A_425 : vector<128x4xf32>
    %max3A_427 = arith.maximumf %add3A_423, %add3A_426 : vector<128x4xf32>
    %sub3A_428 = arith.subf %add3A_423, %max3A_427 : vector<128x4xf32>
    %exp3A_429 = math.exp %sub3A_428 : vector<128x4xf32>
    %sub3A_430 = arith.subf %add3A_426, %max3A_427 : vector<128x4xf32>
    %exp3A_431 = math.exp %sub3A_430 : vector<128x4xf32>
    %add3A_432 = arith.addf %exp3A_429, %exp3A_431 : vector<128x4xf32>
    %log3A_433 = math.log %add3A_432 : vector<128x4xf32>
    %add3A_434 = arith.addf %max3A_427, %log3A_433 : vector<128x4xf32>
    %slice3A_435 = vector.extract_strided_slice %get3A_4 {offsets = [6, 3], sizes = [1, 4], strides = [1, 1]} : vector<8x1152xf32> to vector<1x4xf32>
    %add3A_436 = vector.broadcast %slice3A_435 : vector<1x4xf32> to vector<128x4xf32>
    %add3A_437 = arith.addf %concatenate3A_419, %add3A_436 : vector<128x4xf32>
    %slice3A_438 = vector.extract_strided_slice %get3A_4 {offsets = [7, 3], sizes = [1, 4], strides = [1, 1]} : vector<8x1152xf32> to vector<1x4xf32>
    %add3A_439 = vector.broadcast %slice3A_438 : vector<1x4xf32> to vector<128x4xf32>
    %add3A_440 = arith.addf %concatenate3A_420, %add3A_439 : vector<128x4xf32>
    %max3A_441 = arith.maximumf %add3A_437, %add3A_440 : vector<128x4xf32>
    %sub3A_442 = arith.subf %add3A_437, %max3A_441 : vector<128x4xf32>
    %exp3A_443 = math.exp %sub3A_442 : vector<128x4xf32>
    %sub3A_444 = arith.subf %add3A_440, %max3A_441 : vector<128x4xf32>
    %exp3A_445 = math.exp %sub3A_444 : vector<128x4xf32>
    %add3A_446 = arith.addf %exp3A_443, %exp3A_445 : vector<128x4xf32>
    %log3A_447 = math.log %add3A_446 : vector<128x4xf32>
    %add3A_448 = arith.addf %max3A_441, %log3A_447 : vector<128x4xf32>
    %slice3A_449 = vector.extract_strided_slice %slice3A {offsets = [0, 3], sizes = [128, 4], strides = [1, 1]} : vector<128x1152xf32> to vector<128x4xf32>
    %add3A_450 = arith.addf %slice3A_449, %add3A_434 : vector<128x4xf32>
    %slice3A_451 = vector.extract_strided_slice %slice3A_5 {offsets = [0, 3], sizes = [128, 4], strides = [1, 1]} : vector<128x1152xf32> to vector<128x4xf32>
    %add3A_452 = arith.addf %slice3A_451, %add3A_448 : vector<128x4xf32>
    %concatenate3A_453 = tpu.concatenate %add3A_450, %add3A_450 in 1 : vector<128x4xf32>, vector<128x4xf32> -> vector<128x8xf32>
    %concatenate3A_454 = tpu.concatenate %add3A_452, %add3A_452 in 1 : vector<128x4xf32>, vector<128x4xf32> -> vector<128x8xf32>
    %slice3A_455 = vector.extract_strided_slice %get3A_4 {offsets = [4, 7], sizes = [1, 8], strides = [1, 1]} : vector<8x1152xf32> to vector<1x8xf32>
    %add3A_456 = vector.broadcast %slice3A_455 : vector<1x8xf32> to vector<128x8xf32>
    %add3A_457 = arith.addf %concatenate3A_453, %add3A_456 : vector<128x8xf32>
    %slice3A_458 = vector.extract_strided_slice %get3A_4 {offsets = [5, 7], sizes = [1, 8], strides = [1, 1]} : vector<8x1152xf32> to vector<1x8xf32>
    %add3A_459 = vector.broadcast %slice3A_458 : vector<1x8xf32> to vector<128x8xf32>
    %add3A_460 = arith.addf %concatenate3A_454, %add3A_459 : vector<128x8xf32>
    %max3A_461 = arith.maximumf %add3A_457, %add3A_460 : vector<128x8xf32>
    %sub3A_462 = arith.subf %add3A_457, %max3A_461 : vector<128x8xf32>
    %exp3A_463 = math.exp %sub3A_462 : vector<128x8xf32>
    %sub3A_464 = arith.subf %add3A_460, %max3A_461 : vector<128x8xf32>
    %exp3A_465 = math.exp %sub3A_464 : vector<128x8xf32>
    %add3A_466 = arith.addf %exp3A_463, %exp3A_465 : vector<128x8xf32>
    %log3A_467 = math.log %add3A_466 : vector<128x8xf32>
    %add3A_468 = arith.addf %max3A_461, %log3A_467 : vector<128x8xf32>
    %slice3A_469 = vector.extract_strided_slice %get3A_4 {offsets = [6, 7], sizes = [1, 8], strides = [1, 1]} : vector<8x1152xf32> to vector<1x8xf32>
    %add3A_470 = vector.broadcast %slice3A_469 : vector<1x8xf32> to vector<128x8xf32>
    %add3A_471 = arith.addf %concatenate3A_453, %add3A_470 : vector<128x8xf32>
    %slice3A_472 = vector.extract_strided_slice %get3A_4 {offsets = [7, 7], sizes = [1, 8], strides = [1, 1]} : vector<8x1152xf32> to vector<1x8xf32>
    %add3A_473 = vector.broadcast %slice3A_472 : vector<1x8xf32> to vector<128x8xf32>
    %add3A_474 = arith.addf %concatenate3A_454, %add3A_473 : vector<128x8xf32>
    %max3A_475 = arith.maximumf %add3A_471, %add3A_474 : vector<128x8xf32>
    %sub3A_476 = arith.subf %add3A_471, %max3A_475 : vector<128x8xf32>
    %exp3A_477 = math.exp %sub3A_476 : vector<128x8xf32>
    %sub3A_478 = arith.subf %add3A_474, %max3A_475 : vector<128x8xf32>
    %exp3A_479 = math.exp %sub3A_478 : vector<128x8xf32>
    %add3A_480 = arith.addf %exp3A_477, %exp3A_479 : vector<128x8xf32>
    %log3A_481 = math.log %add3A_480 : vector<128x8xf32>
    %add3A_482 = arith.addf %max3A_475, %log3A_481 : vector<128x8xf32>
    %slice3A_483 = vector.extract_strided_slice %slice3A {offsets = [0, 7], sizes = [128, 8], strides = [1, 1]} : vector<128x1152xf32> to vector<128x8xf32>
    %add3A_484 = arith.addf %slice3A_483, %add3A_468 : vector<128x8xf32>
    %slice3A_485 = vector.extract_strided_slice %slice3A_5 {offsets = [0, 7], sizes = [128, 8], strides = [1, 1]} : vector<128x1152xf32> to vector<128x8xf32>
    %add3A_486 = arith.addf %slice3A_485, %add3A_482 : vector<128x8xf32>
    %concatenate3A_487 = tpu.concatenate %add3A_484, %add3A_484 in 1 : vector<128x8xf32>, vector<128x8xf32> -> vector<128x16xf32>
    %concatenate3A_488 = tpu.concatenate %add3A_486, %add3A_486 in 1 : vector<128x8xf32>, vector<128x8xf32> -> vector<128x16xf32>
    %slice3A_489 = vector.extract_strided_slice %get3A_4 {offsets = [4, 15], sizes = [1, 16], strides = [1, 1]} : vector<8x1152xf32> to vector<1x16xf32>
    %add3A_490 = vector.broadcast %slice3A_489 : vector<1x16xf32> to vector<128x16xf32>
    %add3A_491 = arith.addf %concatenate3A_487, %add3A_490 : vector<128x16xf32>
    %slice3A_492 = vector.extract_strided_slice %get3A_4 {offsets = [5, 15], sizes = [1, 16], strides = [1, 1]} : vector<8x1152xf32> to vector<1x16xf32>
    %add3A_493 = vector.broadcast %slice3A_492 : vector<1x16xf32> to vector<128x16xf32>
    %add3A_494 = arith.addf %concatenate3A_488, %add3A_493 : vector<128x16xf32>
    %max3A_495 = arith.maximumf %add3A_491, %add3A_494 : vector<128x16xf32>
    %sub3A_496 = arith.subf %add3A_491, %max3A_495 : vector<128x16xf32>
    %exp3A_497 = math.exp %sub3A_496 : vector<128x16xf32>
    %sub3A_498 = arith.subf %add3A_494, %max3A_495 : vector<128x16xf32>
    %exp3A_499 = math.exp %sub3A_498 : vector<128x16xf32>
    %add3A_500 = arith.addf %exp3A_497, %exp3A_499 : vector<128x16xf32>
    %log3A_501 = math.log %add3A_500 : vector<128x16xf32>
    %add3A_502 = arith.addf %max3A_495, %log3A_501 : vector<128x16xf32>
    %slice3A_503 = vector.extract_strided_slice %get3A_4 {offsets = [6, 15], sizes = [1, 16], strides = [1, 1]} : vector<8x1152xf32> to vector<1x16xf32>
    %add3A_504 = vector.broadcast %slice3A_503 : vector<1x16xf32> to vector<128x16xf32>
    %add3A_505 = arith.addf %concatenate3A_487, %add3A_504 : vector<128x16xf32>
    %slice3A_506 = vector.extract_strided_slice %get3A_4 {offsets = [7, 15], sizes = [1, 16], strides = [1, 1]} : vector<8x1152xf32> to vector<1x16xf32>
    %add3A_507 = vector.broadcast %slice3A_506 : vector<1x16xf32> to vector<128x16xf32>
    %add3A_508 = arith.addf %concatenate3A_488, %add3A_507 : vector<128x16xf32>
    %max3A_509 = arith.maximumf %add3A_505, %add3A_508 : vector<128x16xf32>
    %sub3A_510 = arith.subf %add3A_505, %max3A_509 : vector<128x16xf32>
    %exp3A_511 = math.exp %sub3A_510 : vector<128x16xf32>
    %sub3A_512 = arith.subf %add3A_508, %max3A_509 : vector<128x16xf32>
    %exp3A_513 = math.exp %sub3A_512 : vector<128x16xf32>
    %add3A_514 = arith.addf %exp3A_511, %exp3A_513 : vector<128x16xf32>
    %log3A_515 = math.log %add3A_514 : vector<128x16xf32>
    %add3A_516 = arith.addf %max3A_509, %log3A_515 : vector<128x16xf32>
    %slice3A_517 = vector.extract_strided_slice %slice3A {offsets = [0, 15], sizes = [128, 16], strides = [1, 1]} : vector<128x1152xf32> to vector<128x16xf32>
    %add3A_518 = arith.addf %slice3A_517, %add3A_502 : vector<128x16xf32>
    %slice3A_519 = vector.extract_strided_slice %slice3A_5 {offsets = [0, 15], sizes = [128, 16], strides = [1, 1]} : vector<128x1152xf32> to vector<128x16xf32>
    %add3A_520 = arith.addf %slice3A_519, %add3A_516 : vector<128x16xf32>
    %concatenate3A_521 = tpu.concatenate %add3A_518, %add3A_518 in 1 : vector<128x16xf32>, vector<128x16xf32> -> vector<128x32xf32>
    %concatenate3A_522 = tpu.concatenate %add3A_520, %add3A_520 in 1 : vector<128x16xf32>, vector<128x16xf32> -> vector<128x32xf32>
    %slice3A_523 = vector.extract_strided_slice %get3A_4 {offsets = [4, 31], sizes = [1, 32], strides = [1, 1]} : vector<8x1152xf32> to vector<1x32xf32>
    %add3A_524 = vector.broadcast %slice3A_523 : vector<1x32xf32> to vector<128x32xf32>
    %add3A_525 = arith.addf %concatenate3A_521, %add3A_524 : vector<128x32xf32>
    %slice3A_526 = vector.extract_strided_slice %get3A_4 {offsets = [5, 31], sizes = [1, 32], strides = [1, 1]} : vector<8x1152xf32> to vector<1x32xf32>
    %add3A_527 = vector.broadcast %slice3A_526 : vector<1x32xf32> to vector<128x32xf32>
    %add3A_528 = arith.addf %concatenate3A_522, %add3A_527 : vector<128x32xf32>
    %max3A_529 = arith.maximumf %add3A_525, %add3A_528 : vector<128x32xf32>
    %sub3A_530 = arith.subf %add3A_525, %max3A_529 : vector<128x32xf32>
    %exp3A_531 = math.exp %sub3A_530 : vector<128x32xf32>
    %sub3A_532 = arith.subf %add3A_528, %max3A_529 : vector<128x32xf32>
    %exp3A_533 = math.exp %sub3A_532 : vector<128x32xf32>
    %add3A_534 = arith.addf %exp3A_531, %exp3A_533 : vector<128x32xf32>
    %log3A_535 = math.log %add3A_534 : vector<128x32xf32>
    %add3A_536 = arith.addf %max3A_529, %log3A_535 : vector<128x32xf32>
    %slice3A_537 = vector.extract_strided_slice %get3A_4 {offsets = [6, 31], sizes = [1, 32], strides = [1, 1]} : vector<8x1152xf32> to vector<1x32xf32>
    %add3A_538 = vector.broadcast %slice3A_537 : vector<1x32xf32> to vector<128x32xf32>
    %add3A_539 = arith.addf %concatenate3A_521, %add3A_538 : vector<128x32xf32>
    %slice3A_540 = vector.extract_strided_slice %get3A_4 {offsets = [7, 31], sizes = [1, 32], strides = [1, 1]} : vector<8x1152xf32> to vector<1x32xf32>
    %add3A_541 = vector.broadcast %slice3A_540 : vector<1x32xf32> to vector<128x32xf32>
    %add3A_542 = arith.addf %concatenate3A_522, %add3A_541 : vector<128x32xf32>
    %max3A_543 = arith.maximumf %add3A_539, %add3A_542 : vector<128x32xf32>
    %sub3A_544 = arith.subf %add3A_539, %max3A_543 : vector<128x32xf32>
    %exp3A_545 = math.exp %sub3A_544 : vector<128x32xf32>
    %sub3A_546 = arith.subf %add3A_542, %max3A_543 : vector<128x32xf32>
    %exp3A_547 = math.exp %sub3A_546 : vector<128x32xf32>
    %add3A_548 = arith.addf %exp3A_545, %exp3A_547 : vector<128x32xf32>
    %log3A_549 = math.log %add3A_548 : vector<128x32xf32>
    %add3A_550 = arith.addf %max3A_543, %log3A_549 : vector<128x32xf32>
    %slice3A_551 = vector.extract_strided_slice %slice3A {offsets = [0, 31], sizes = [128, 32], strides = [1, 1]} : vector<128x1152xf32> to vector<128x32xf32>
    %add3A_552 = arith.addf %slice3A_551, %add3A_536 : vector<128x32xf32>
    %slice3A_553 = vector.extract_strided_slice %slice3A_5 {offsets = [0, 31], sizes = [128, 32], strides = [1, 1]} : vector<128x1152xf32> to vector<128x32xf32>
    %add3A_554 = arith.addf %slice3A_553, %add3A_550 : vector<128x32xf32>
    %concatenate3A_555 = tpu.concatenate %add3A_552, %add3A_552 in 1 : vector<128x32xf32>, vector<128x32xf32> -> vector<128x64xf32>
    %concatenate3A_556 = tpu.concatenate %add3A_554, %add3A_554 in 1 : vector<128x32xf32>, vector<128x32xf32> -> vector<128x64xf32>
    %slice3A_557 = vector.extract_strided_slice %get3A_4 {offsets = [4, 63], sizes = [1, 64], strides = [1, 1]} : vector<8x1152xf32> to vector<1x64xf32>
    %add3A_558 = vector.broadcast %slice3A_557 : vector<1x64xf32> to vector<128x64xf32>
    %add3A_559 = arith.addf %concatenate3A_555, %add3A_558 : vector<128x64xf32>
    %slice3A_560 = vector.extract_strided_slice %get3A_4 {offsets = [5, 63], sizes = [1, 64], strides = [1, 1]} : vector<8x1152xf32> to vector<1x64xf32>
    %add3A_561 = vector.broadcast %slice3A_560 : vector<1x64xf32> to vector<128x64xf32>
    %add3A_562 = arith.addf %concatenate3A_556, %add3A_561 : vector<128x64xf32>
    %max3A_563 = arith.maximumf %add3A_559, %add3A_562 : vector<128x64xf32>
    %sub3A_564 = arith.subf %add3A_559, %max3A_563 : vector<128x64xf32>
    %exp3A_565 = math.exp %sub3A_564 : vector<128x64xf32>
    %sub3A_566 = arith.subf %add3A_562, %max3A_563 : vector<128x64xf32>
    %exp3A_567 = math.exp %sub3A_566 : vector<128x64xf32>
    %add3A_568 = arith.addf %exp3A_565, %exp3A_567 : vector<128x64xf32>
    %log3A_569 = math.log %add3A_568 : vector<128x64xf32>
    %add3A_570 = arith.addf %max3A_563, %log3A_569 : vector<128x64xf32>
    %slice3A_571 = vector.extract_strided_slice %get3A_4 {offsets = [6, 63], sizes = [1, 64], strides = [1, 1]} : vector<8x1152xf32> to vector<1x64xf32>
    %add3A_572 = vector.broadcast %slice3A_571 : vector<1x64xf32> to vector<128x64xf32>
    %add3A_573 = arith.addf %concatenate3A_555, %add3A_572 : vector<128x64xf32>
    %slice3A_574 = vector.extract_strided_slice %get3A_4 {offsets = [7, 63], sizes = [1, 64], strides = [1, 1]} : vector<8x1152xf32> to vector<1x64xf32>
    %add3A_575 = vector.broadcast %slice3A_574 : vector<1x64xf32> to vector<128x64xf32>
    %add3A_576 = arith.addf %concatenate3A_556, %add3A_575 : vector<128x64xf32>
    %max3A_577 = arith.maximumf %add3A_573, %add3A_576 : vector<128x64xf32>
    %sub3A_578 = arith.subf %add3A_573, %max3A_577 : vector<128x64xf32>
    %exp3A_579 = math.exp %sub3A_578 : vector<128x64xf32>
    %sub3A_580 = arith.subf %add3A_576, %max3A_577 : vector<128x64xf32>
    %exp3A_581 = math.exp %sub3A_580 : vector<128x64xf32>
    %add3A_582 = arith.addf %exp3A_579, %exp3A_581 : vector<128x64xf32>
    %log3A_583 = math.log %add3A_582 : vector<128x64xf32>
    %add3A_584 = arith.addf %max3A_577, %log3A_583 : vector<128x64xf32>
    %slice3A_585 = vector.extract_strided_slice %slice3A {offsets = [0, 63], sizes = [128, 64], strides = [1, 1]} : vector<128x1152xf32> to vector<128x64xf32>
    %add3A_586 = arith.addf %slice3A_585, %add3A_570 : vector<128x64xf32>
    %slice3A_587 = vector.extract_strided_slice %slice3A_5 {offsets = [0, 63], sizes = [128, 64], strides = [1, 1]} : vector<128x1152xf32> to vector<128x64xf32>
    %add3A_588 = arith.addf %slice3A_587, %add3A_584 : vector<128x64xf32>
    %concatenate3A_589 = tpu.concatenate %add3A_586, %add3A_586 in 1 : vector<128x64xf32>, vector<128x64xf32> -> vector<128x128xf32>
    %concatenate3A_590 = tpu.concatenate %add3A_588, %add3A_588 in 1 : vector<128x64xf32>, vector<128x64xf32> -> vector<128x128xf32>
    %slice3A_591 = vector.extract_strided_slice %get3A_4 {offsets = [4, 128], sizes = [1, 128], strides = [1, 1]} : vector<8x1152xf32> to vector<1x128xf32>
    %add3A_592 = vector.broadcast %slice3A_591 : vector<1x128xf32> to vector<128x128xf32>
    %add3A_593 = arith.addf %concatenate3A_589, %add3A_592 : vector<128x128xf32>
    %slice3A_594 = vector.extract_strided_slice %get3A_4 {offsets = [5, 128], sizes = [1, 128], strides = [1, 1]} : vector<8x1152xf32> to vector<1x128xf32>
    %add3A_595 = vector.broadcast %slice3A_594 : vector<1x128xf32> to vector<128x128xf32>
    %add3A_596 = arith.addf %concatenate3A_590, %add3A_595 : vector<128x128xf32>
    %max3A_597 = arith.maximumf %add3A_593, %add3A_596 : vector<128x128xf32>
    %sub3A_598 = arith.subf %add3A_593, %max3A_597 : vector<128x128xf32>
    %exp3A_599 = math.exp %sub3A_598 : vector<128x128xf32>
    %sub3A_600 = arith.subf %add3A_596, %max3A_597 : vector<128x128xf32>
    %exp3A_601 = math.exp %sub3A_600 : vector<128x128xf32>
    %add3A_602 = arith.addf %exp3A_599, %exp3A_601 : vector<128x128xf32>
    %log3A_603 = math.log %add3A_602 : vector<128x128xf32>
    %add3A_604 = arith.addf %max3A_597, %log3A_603 : vector<128x128xf32>
    %slice3A_605 = vector.extract_strided_slice %get3A_4 {offsets = [6, 128], sizes = [1, 128], strides = [1, 1]} : vector<8x1152xf32> to vector<1x128xf32>
    %add3A_606 = vector.broadcast %slice3A_605 : vector<1x128xf32> to vector<128x128xf32>
    %add3A_607 = arith.addf %concatenate3A_589, %add3A_606 : vector<128x128xf32>
    %slice3A_608 = vector.extract_strided_slice %get3A_4 {offsets = [7, 128], sizes = [1, 128], strides = [1, 1]} : vector<8x1152xf32> to vector<1x128xf32>
    %add3A_609 = vector.broadcast %slice3A_608 : vector<1x128xf32> to vector<128x128xf32>
    %add3A_610 = arith.addf %concatenate3A_590, %add3A_609 : vector<128x128xf32>
    %max3A_611 = arith.maximumf %add3A_607, %add3A_610 : vector<128x128xf32>
    %sub3A_612 = arith.subf %add3A_607, %max3A_611 : vector<128x128xf32>
    %exp3A_613 = math.exp %sub3A_612 : vector<128x128xf32>
    %sub3A_614 = arith.subf %add3A_610, %max3A_611 : vector<128x128xf32>
    %exp3A_615 = math.exp %sub3A_614 : vector<128x128xf32>
    %add3A_616 = arith.addf %exp3A_613, %exp3A_615 : vector<128x128xf32>
    %log3A_617 = math.log %add3A_616 : vector<128x128xf32>
    %add3A_618 = arith.addf %max3A_611, %log3A_617 : vector<128x128xf32>
    %slice3A_619 = vector.extract_strided_slice %slice3A {offsets = [0, 128], sizes = [128, 128], strides = [1, 1]} : vector<128x1152xf32> to vector<128x128xf32>
    %add3A_620 = arith.addf %slice3A_619, %add3A_604 : vector<128x128xf32>
    %slice3A_621 = vector.extract_strided_slice %slice3A_5 {offsets = [0, 128], sizes = [128, 128], strides = [1, 1]} : vector<128x1152xf32> to vector<128x128xf32>
    %add3A_622 = arith.addf %slice3A_621, %add3A_618 : vector<128x128xf32>
    %concatenate3A_623 = tpu.concatenate %add3A_620, %add3A_620 in 1 : vector<128x128xf32>, vector<128x128xf32> -> vector<128x256xf32>
    %concatenate3A_624 = tpu.concatenate %add3A_622, %add3A_622 in 1 : vector<128x128xf32>, vector<128x128xf32> -> vector<128x256xf32>
    %slice3A_625 = vector.extract_strided_slice %get3A_4 {offsets = [4, 256], sizes = [1, 256], strides = [1, 1]} : vector<8x1152xf32> to vector<1x256xf32>
    %add3A_626 = vector.broadcast %slice3A_625 : vector<1x256xf32> to vector<128x256xf32>
    %add3A_627 = arith.addf %concatenate3A_623, %add3A_626 : vector<128x256xf32>
    %slice3A_628 = vector.extract_strided_slice %get3A_4 {offsets = [5, 256], sizes = [1, 256], strides = [1, 1]} : vector<8x1152xf32> to vector<1x256xf32>
    %add3A_629 = vector.broadcast %slice3A_628 : vector<1x256xf32> to vector<128x256xf32>
    %add3A_630 = arith.addf %concatenate3A_624, %add3A_629 : vector<128x256xf32>
    %max3A_631 = arith.maximumf %add3A_627, %add3A_630 : vector<128x256xf32>
    %sub3A_632 = arith.subf %add3A_627, %max3A_631 : vector<128x256xf32>
    %exp3A_633 = math.exp %sub3A_632 : vector<128x256xf32>
    %sub3A_634 = arith.subf %add3A_630, %max3A_631 : vector<128x256xf32>
    %exp3A_635 = math.exp %sub3A_634 : vector<128x256xf32>
    %add3A_636 = arith.addf %exp3A_633, %exp3A_635 : vector<128x256xf32>
    %log3A_637 = math.log %add3A_636 : vector<128x256xf32>
    %add3A_638 = arith.addf %max3A_631, %log3A_637 : vector<128x256xf32>
    %slice3A_639 = vector.extract_strided_slice %get3A_4 {offsets = [6, 256], sizes = [1, 256], strides = [1, 1]} : vector<8x1152xf32> to vector<1x256xf32>
    %add3A_640 = vector.broadcast %slice3A_639 : vector<1x256xf32> to vector<128x256xf32>
    %add3A_641 = arith.addf %concatenate3A_623, %add3A_640 : vector<128x256xf32>
    %slice3A_642 = vector.extract_strided_slice %get3A_4 {offsets = [7, 256], sizes = [1, 256], strides = [1, 1]} : vector<8x1152xf32> to vector<1x256xf32>
    %add3A_643 = vector.broadcast %slice3A_642 : vector<1x256xf32> to vector<128x256xf32>
    %add3A_644 = arith.addf %concatenate3A_624, %add3A_643 : vector<128x256xf32>
    %max3A_645 = arith.maximumf %add3A_641, %add3A_644 : vector<128x256xf32>
    %sub3A_646 = arith.subf %add3A_641, %max3A_645 : vector<128x256xf32>
    %exp3A_647 = math.exp %sub3A_646 : vector<128x256xf32>
    %sub3A_648 = arith.subf %add3A_644, %max3A_645 : vector<128x256xf32>
    %exp3A_649 = math.exp %sub3A_648 : vector<128x256xf32>
    %add3A_650 = arith.addf %exp3A_647, %exp3A_649 : vector<128x256xf32>
    %log3A_651 = math.log %add3A_650 : vector<128x256xf32>
    %add3A_652 = arith.addf %max3A_645, %log3A_651 : vector<128x256xf32>
    %slice3A_653 = vector.extract_strided_slice %slice3A {offsets = [0, 256], sizes = [128, 256], strides = [1, 1]} : vector<128x1152xf32> to vector<128x256xf32>
    %add3A_654 = arith.addf %slice3A_653, %add3A_638 : vector<128x256xf32>
    %slice3A_655 = vector.extract_strided_slice %slice3A_5 {offsets = [0, 256], sizes = [128, 256], strides = [1, 1]} : vector<128x1152xf32> to vector<128x256xf32>
    %add3A_656 = arith.addf %slice3A_655, %add3A_652 : vector<128x256xf32>
    %concatenate3A_657 = tpu.concatenate %add3A_654, %add3A_654 in 1 : vector<128x256xf32>, vector<128x256xf32> -> vector<128x512xf32>
    %concatenate3A_658 = tpu.concatenate %add3A_656, %add3A_656 in 1 : vector<128x256xf32>, vector<128x256xf32> -> vector<128x512xf32>
    %slice3A_659 = vector.extract_strided_slice %get3A_4 {offsets = [4, 512], sizes = [1, 512], strides = [1, 1]} : vector<8x1152xf32> to vector<1x512xf32>
    %add3A_660 = vector.broadcast %slice3A_659 : vector<1x512xf32> to vector<128x512xf32>
    %add3A_661 = arith.addf %concatenate3A_657, %add3A_660 : vector<128x512xf32>
    %slice3A_662 = vector.extract_strided_slice %get3A_4 {offsets = [5, 512], sizes = [1, 512], strides = [1, 1]} : vector<8x1152xf32> to vector<1x512xf32>
    %add3A_663 = vector.broadcast %slice3A_662 : vector<1x512xf32> to vector<128x512xf32>
    %add3A_664 = arith.addf %concatenate3A_658, %add3A_663 : vector<128x512xf32>
    %max3A_665 = arith.maximumf %add3A_661, %add3A_664 : vector<128x512xf32>
    %sub3A_666 = arith.subf %add3A_661, %max3A_665 : vector<128x512xf32>
    %exp3A_667 = math.exp %sub3A_666 : vector<128x512xf32>
    %sub3A_668 = arith.subf %add3A_664, %max3A_665 : vector<128x512xf32>
    %exp3A_669 = math.exp %sub3A_668 : vector<128x512xf32>
    %add3A_670 = arith.addf %exp3A_667, %exp3A_669 : vector<128x512xf32>
    %log3A_671 = math.log %add3A_670 : vector<128x512xf32>
    %add3A_672 = arith.addf %max3A_665, %log3A_671 : vector<128x512xf32>
    %slice3A_673 = vector.extract_strided_slice %get3A_4 {offsets = [6, 512], sizes = [1, 512], strides = [1, 1]} : vector<8x1152xf32> to vector<1x512xf32>
    %add3A_674 = vector.broadcast %slice3A_673 : vector<1x512xf32> to vector<128x512xf32>
    %add3A_675 = arith.addf %concatenate3A_657, %add3A_674 : vector<128x512xf32>
    %slice3A_676 = vector.extract_strided_slice %get3A_4 {offsets = [7, 512], sizes = [1, 512], strides = [1, 1]} : vector<8x1152xf32> to vector<1x512xf32>
    %add3A_677 = vector.broadcast %slice3A_676 : vector<1x512xf32> to vector<128x512xf32>
    %add3A_678 = arith.addf %concatenate3A_658, %add3A_677 : vector<128x512xf32>
    %max3A_679 = arith.maximumf %add3A_675, %add3A_678 : vector<128x512xf32>
    %sub3A_680 = arith.subf %add3A_675, %max3A_679 : vector<128x512xf32>
    %exp3A_681 = math.exp %sub3A_680 : vector<128x512xf32>
    %sub3A_682 = arith.subf %add3A_678, %max3A_679 : vector<128x512xf32>
    %exp3A_683 = math.exp %sub3A_682 : vector<128x512xf32>
    %add3A_684 = arith.addf %exp3A_681, %exp3A_683 : vector<128x512xf32>
    %log3A_685 = math.log %add3A_684 : vector<128x512xf32>
    %add3A_686 = arith.addf %max3A_679, %log3A_685 : vector<128x512xf32>
    %slice3A_687 = vector.extract_strided_slice %slice3A {offsets = [0, 512], sizes = [128, 1], strides = [1, 1]} : vector<128x1152xf32> to vector<128x1xf32>
    %slice3A_688 = vector.extract_strided_slice %add3A_672 {offsets = [0, 0], sizes = [128, 1], strides = [1, 1]} : vector<128x512xf32> to vector<128x1xf32>
    %add3A_689 = arith.addf %slice3A_687, %slice3A_688 : vector<128x1xf32>
    %slice3A_690 = vector.extract_strided_slice %slice3A_5 {offsets = [0, 512], sizes = [128, 1], strides = [1, 1]} : vector<128x1152xf32> to vector<128x1xf32>
    %slice3A_691 = vector.extract_strided_slice %add3A_686 {offsets = [0, 0], sizes = [128, 1], strides = [1, 1]} : vector<128x512xf32> to vector<128x1xf32>
    %add3A_692 = arith.addf %slice3A_690, %slice3A_691 : vector<128x1xf32>
    %slice3A_693 = vector.extract_strided_slice %get3A_4 {offsets = [4, 1024], sizes = [1, 1], strides = [1, 1]} : vector<8x1152xf32> to vector<1x1xf32>
    %add3A_694 = vector.broadcast %slice3A_693 : vector<1x1xf32> to vector<128x1xf32>
    %add3A_695 = arith.addf %add3A_689, %add3A_694 : vector<128x1xf32>
    %slice3A_696 = vector.extract_strided_slice %get3A_4 {offsets = [5, 1024], sizes = [1, 1], strides = [1, 1]} : vector<8x1152xf32> to vector<1x1xf32>
    %add3A_697 = vector.broadcast %slice3A_696 : vector<1x1xf32> to vector<128x1xf32>
    %add3A_698 = arith.addf %add3A_692, %add3A_697 : vector<128x1xf32>
    %max3A_699 = arith.maximumf %add3A_695, %add3A_698 : vector<128x1xf32>
    %sub3A_700 = arith.subf %add3A_695, %max3A_699 : vector<128x1xf32>
    %exp3A_701 = math.exp %sub3A_700 : vector<128x1xf32>
    %sub3A_702 = arith.subf %add3A_698, %max3A_699 : vector<128x1xf32>
    %exp3A_703 = math.exp %sub3A_702 : vector<128x1xf32>
    %add3A_704 = arith.addf %exp3A_701, %exp3A_703 : vector<128x1xf32>
    %log3A_705 = math.log %add3A_704 : vector<128x1xf32>
    %add3A_706 = arith.addf %max3A_699, %log3A_705 : vector<128x1xf32>
    %slice3A_707 = vector.extract_strided_slice %get3A_4 {offsets = [6, 1024], sizes = [1, 1], strides = [1, 1]} : vector<8x1152xf32> to vector<1x1xf32>
    %add3A_708 = vector.broadcast %slice3A_707 : vector<1x1xf32> to vector<128x1xf32>
    %add3A_709 = arith.addf %add3A_689, %add3A_708 : vector<128x1xf32>
    %slice3A_710 = vector.extract_strided_slice %get3A_4 {offsets = [7, 1024], sizes = [1, 1], strides = [1, 1]} : vector<8x1152xf32> to vector<1x1xf32>
    %add3A_711 = vector.broadcast %slice3A_710 : vector<1x1xf32> to vector<128x1xf32>
    %add3A_712 = arith.addf %add3A_692, %add3A_711 : vector<128x1xf32>
    %max3A_713 = arith.maximumf %add3A_709, %add3A_712 : vector<128x1xf32>
    %sub3A_714 = arith.subf %add3A_709, %max3A_713 : vector<128x1xf32>
    %exp3A_715 = math.exp %sub3A_714 : vector<128x1xf32>
    %sub3A_716 = arith.subf %add3A_712, %max3A_713 : vector<128x1xf32>
    %exp3A_717 = math.exp %sub3A_716 : vector<128x1xf32>
    %add3A_718 = arith.addf %exp3A_715, %exp3A_717 : vector<128x1xf32>
    %log3A_719 = math.log %add3A_718 : vector<128x1xf32>
    %add3A_720 = arith.addf %max3A_713, %log3A_719 : vector<128x1xf32>
    %broadcast_in_dim3A_721 = arith.constant 0.000000e+00 : f32
    %broadcast_in_dim3A_722 = vector.broadcast %broadcast_in_dim3A_721 : f32 to vector<128x1xf32>
    %broadcast_in_dim3A_723 = arith.constant 0.000000e+00 : f32
    %broadcast_in_dim3A_724 = vector.broadcast %broadcast_in_dim3A_723 : f32 to vector<128x1xf32>
    %broadcast_in_dim3A_725 = arith.constant 0.000000e+00 : f32
    %broadcast_in_dim3A_726 = vector.broadcast %broadcast_in_dim3A_725 : f32 to vector<128x1xf32>
    %broadcast_in_dim3A_727 = arith.constant 0.000000e+00 : f32
    %broadcast_in_dim3A_728 = vector.broadcast %broadcast_in_dim3A_727 : f32 to vector<128x127xf32>
    %concatenate3A_729 = tpu.concatenate %add3A_373, %add3A_335, %add3A_297, %add3A_259, %add3A_221, %add3A_183, %add3A_145, %broadcast_in_dim3A_726, %add3A_107, %add3A_69, %concatenate3A, %broadcast_in_dim3A_722, %broadcast_in_dim3A_728 in 1 : vector<128x1xf32>, vector<128x2xf32>, vector<128x4xf32>, vector<128x8xf32>, vector<128x16xf32>, vector<128x32xf32>, vector<128x64xf32>, vector<128x1xf32>, vector<128x128xf32>, vector<128x256xf32>, vector<128x512xf32>, vector<128x1xf32>, vector<128x127xf32> -> vector<128x1152xf32>
    %add3A_730 = arith.addf %slice3A, %concatenate3A_729 : vector<128x1152xf32>
    %concatenate3A_731 = tpu.concatenate %broadcast_in_dim3A_378, %add3A_400, %add3A_434, %add3A_468, %add3A_502, %add3A_536, %add3A_570, %broadcast_in_dim3A_726, %add3A_604, %add3A_638, %add3A_672, %add3A_706, %broadcast_in_dim3A_728 in 1 : vector<128x1xf32>, vector<128x2xf32>, vector<128x4xf32>, vector<128x8xf32>, vector<128x16xf32>, vector<128x32xf32>, vector<128x64xf32>, vector<128x1xf32>, vector<128x128xf32>, vector<128x256xf32>, vector<128x512xf32>, vector<128x1xf32>, vector<128x127xf32> -> vector<128x1152xf32>
    %add3A_732 = arith.addf %add3A_730, %concatenate3A_731 : vector<128x1152xf32>
    %concatenate3A_733 = tpu.concatenate %add3A_376, %add3A_338, %add3A_300, %add3A_262, %add3A_224, %add3A_186, %add3A_148, %broadcast_in_dim3A_726, %add3A_110, %add3A_72, %concatenate3A_34, %broadcast_in_dim3A_724, %broadcast_in_dim3A_728 in 1 : vector<128x1xf32>, vector<128x2xf32>, vector<128x4xf32>, vector<128x8xf32>, vector<128x16xf32>, vector<128x32xf32>, vector<128x64xf32>, vector<128x1xf32>, vector<128x128xf32>, vector<128x256xf32>, vector<128x512xf32>, vector<128x1xf32>, vector<128x127xf32> -> vector<128x1152xf32>
    %add3A_734 = arith.addf %slice3A_5, %concatenate3A_733 : vector<128x1152xf32>
    %concatenate3A_735 = tpu.concatenate %broadcast_in_dim3A_380, %add3A_414, %add3A_448, %add3A_482, %add3A_516, %add3A_550, %add3A_584, %broadcast_in_dim3A_726, %add3A_618, %add3A_652, %add3A_686, %add3A_720, %broadcast_in_dim3A_728 in 1 : vector<128x1xf32>, vector<128x2xf32>, vector<128x4xf32>, vector<128x8xf32>, vector<128x16xf32>, vector<128x32xf32>, vector<128x64xf32>, vector<128x1xf32>, vector<128x128xf32>, vector<128x256xf32>, vector<128x512xf32>, vector<128x1xf32>, vector<128x127xf32> -> vector<128x1152xf32>
    %add3A_736 = arith.addf %add3A_734, %concatenate3A_735 : vector<128x1152xf32>
    %max3A_737 = arith.maximumf %add3A_732, %add3A_736 : vector<128x1152xf32>
    %sub3A_738 = arith.subf %add3A_732, %max3A_737 : vector<128x1152xf32>
    %exp3A_739 = math.exp %sub3A_738 : vector<128x1152xf32>
    %sub3A_740 = arith.subf %add3A_736, %max3A_737 : vector<128x1152xf32>
    %exp3A_741 = math.exp %sub3A_740 : vector<128x1152xf32>
    %add3A_742 = arith.addf %exp3A_739, %exp3A_741 : vector<128x1152xf32>
    %log3A_743 = math.log %add3A_742 : vector<128x1152xf32>
    %add3A_744 = arith.addf %max3A_737, %log3A_743 : vector<128x1152xf32>
    %sub3A_745 = arith.subf %add3A_732, %add3A_744 : vector<128x1152xf32>
    %sub3A_746 = arith.subf %add3A_736, %add3A_744 : vector<128x1152xf32>
    %concatenate3A_747 = tpu.concatenate %sub3A_745, %sub3A_746 in 1 : vector<128x1152xf32>, vector<128x1152xf32> -> vector<128x2304xf32>
    %swap3A = arith.constant 0 : index
    %swap3A_748 = arith.constant 0 : index
    %swap3A_749 = vector.load %arg3[%swap3A, %swap3A_748] : memref<128x2304xf32, #tpu.memory_space<vmem>>, vector<128x2304xf32>
    tpu.vector_store %arg3[%swap3A, %swap3A_748], %concatenate3A_747 {strides = array<i32>} : memref<128x2304xf32, #tpu.memory_space<vmem>>, vector<128x2304xf32>,
    return
  }
  func.func @transform_0(%arg0: i32) -> (i32, i32) {
    %c0_i32 = arith.constant 0 : i32
    %c0_i32_0 = arith.constant 0 : i32
    return %arg0, %c0_i32 : i32, i32
  }
  func.func @transform_1(%arg0: i32) -> (i32, i32) {
    %c0_i32 = arith.constant 0 : i32
    %c0_i32_0 = arith.constant 0 : i32
    %c0_i32_1 = arith.constant 0 : i32
    return %c0_i32, %c0_i32_0 : i32, i32
  }
  func.func @transform_2(%arg0: i32) -> (i32, i32) {
    %c0_i32 = arith.constant 0 : i32
    %c0_i32_0 = arith.constant 0 : i32
    return %arg0, %c0_i32 : i32, i32
  }
}

</mosaic_0001>

<sc_bundles>
// kernel: gather_offload_async_start.1
scs
__scs_entry_jumppad:
0x0: {  	(pc) =	sbr.rel $0x88, $3  }
0x1: {  	(tag) =	ssettag $0x0;
	lr =	simm.s32 $0x1  }
0x2: {  	[smem:$0x3F9F] =	sst lr;
	_ =	strace $0xD0000000  }
0x3: {  	_ = 	snop  }
0x4: {  	_ = 	snop  }
0x5: {  	_ = 	snop  }
0x6: {  	_ = 	snop  }
0x7: {  	_ = 	snop  }
__scs_overlays_trampoline_lowered:
0x8: {  	[smem:$0x3FAE] =	sst s0  }
0x9: {  	[smem:$0x3FAF] =	sst s1  }
0xa: {  	[smem:$0x3FB0] =	sst s2  }
0xb: {  	[smem:$0x3FB1] =	sst s3  }
0xc: {  	[smem:$0x3FB2] =	sst s4  }
0xd: {  	[smem:$0x3FB3] =	sst s5  }
0xe: {  	[smem:$0x3FB4] =	sst s6  }
0xf: {  	[smem:$0x3FB5] =	sst s7  }
0x10: {  	[smem:$0x3FB6] =	sst s8  }
0x11: {  	[smem:$0x3FB7] =	sst s9;
	s0 =	simm.s32 @!p0 $0x0  }
0x12: {  	s1 =	sld [smem:$0x3F9D];
	s0 =	simm.s32 @p0 $0x1  }
0x13: {  	[smem:$0x3FB8] =	sst s0;
	s0 =	simm.s32 @!p1 $0x0  }
0x14: {  	s2 =	sld [smem:$0x3F9C];
	s0 =	simm.s32 @p1 $0x1  }
0x15: {  	[smem:$0x3FB9] =	sst s0;
	s0 =	simm.s32 @!p2 $0x0  }
0x16: {  	s3 =	sld [smem:$0x3FDB];
	s0 =	simm.s32 @p2 $0x1  }
0x17: {  	s4 =	simm.s32 $0x1BF5;
	[smem:$0x3FBB] =	sst s0  }
0x18: {  	s0 =	sld [smem:$0x3F9E];
	_ =	swait.ge [sflag:s4], $0x0  }
0x19: {  	s7 =	sld [smem:$0x3F9F]  }
0x1a: {  	s8 =	sadd.s32 $0xFFFFE003, lr  }
0x1b: {  	s9 =	sadd.s32 $0xFFFFFEF7, lr;
	s5 =	simm.s32 $0xFFFFFFFF;
	p2 =	slt.u32 s8, $0xFFFFF086  }
0x1c: {  	p1 =	slt.u32 s9, $0xF7A;
	s5 =	simm.s32 @!p2 $0x0  }
0x1d: {  	s5 =	simm.s32 @p1 $0x1;
	p0 =	seq.s32 s7, s2  }
0x1e: {  	s7 =	smul.u32 @!p0 $0xF7A, s2;
	p2 =	seq.s32 @!p0 s5, $0x0  }
0x1f: {  	s9 =	smul.u32 $0xF7A, s1;
	s8 =	simm.s32 @!p0 $0x1BF5;
	p2 =	por !p2, p0  }
0x20: {  	[sflag:s8] =	ssyncset.s32 @!p0 $0xFFFFF086;
	s6 =	sadd.s32 @!p0 s3, s7;
	s7 =	simm.s32 @!p0 $0x108  }
0x21: {  	s3 =	sadd.s32 s3, s9;
	s6 =	sadd.s32 @!p0 $0x88, s6;
	s7 =	simm.s32 @p2 $0x1082  }
0x22: {  	[simem:s7], [sflag:s8] =	dma.local @!p0 [hbm:s6], $0xF7A  }
0x23: {  	s9 =	sor.u32 $0xD0000000, s2;
	s6 =	simm.s32 $0x108;
	_ =	swait.ge @!p0 [sflag:s8], $0x0  }
0x24: {  	s3 =	sadd.s32 $0x88, s3;
	s6 =	simm.s32 @!p1 $0x1082;
	[sflag:s4] =	ssyncset.s32 $0xFFFFF086  }
0x25: {  	[simem:s6], [sflag:s4] =	dma.local [hbm:s3], $0xF7A  }
0x26: {  	[smem:$0x3F9F] =	sst s1;
	(tag) =	ssettag s2;
	_ =	strace s9  }
0x27: {  	s1 =	sld [smem:$0x3FAF]  }
0x28: {  	s2 =	sld [smem:$0x3FB0]  }
0x29: {  	s4 =	sld [smem:$0x3FB2]  }
0x2a: {  	p0 =	seq.s32 s5, $0x0;
	s5 =	sld [smem:$0x3FB3]  }
0x2b: {  	s6 =	sld [smem:$0x3FB4]  }
0x2c: {  	s7 =	sld [smem:$0x3FB5]  }
0x2d: {  	s3 =	simm.s32 $0x108;
	s8 =	sld [smem:$0x3FB6]  }
0x2e: {  	s3 =	simm.s32 @!p0 $0x1082;
	s9 =	sld [smem:$0x3FB7]  }
0x2f: {  	lr =	sadd.s32 s0, s3;
	s0 =	sld [smem:$0x3FAE]  }
0x30: {  	s3 =	sld [smem:$0x3FB1]  }
0x31: {  	[smem:$0x3FBA] =	sst s10  }
0x32: {  	s10 =	sld [smem:$0x3FB8];
	_ =	sdelay $0x3  }
0x33: {  	p0 =	seq.s32 s10, $0x1;
	s10 =	sld [smem:$0x3FBA];
	_ =	sdelay $0x3  }
0x34: {  	[smem:$0x3FBA] =	sst s10  }
0x35: {  	s10 =	sld [smem:$0x3FB9];
	_ =	sdelay $0x3  }
0x36: {  	p1 =	seq.s32 s10, $0x1;
	s10 =	sld [smem:$0x3FBA];
	_ =	sdelay $0x3  }
0x37: {  	[smem:$0x3FBA] =	sst s10  }
0x38: {  	s10 =	sld [smem:$0x3FBB]  }
0x39: {  	_ = 	snop;
	(pc) =	sbr.ind lr, $3  }
0x3a: {  	_ = 	snop  }
0x3b: {  	_ = 	snop  }
0x3c: {  	p2 =	seq.s32 s10, $0x1;
	s10 =	sld [smem:$0x3FBA]  }
0x3d: {  	_ =	shalt  }
0x3e: {  	_ =	shalt  }
0x3f: {  	_ =	shalt  }
0x40: {  	_ =	shalt  }
0x41: {  	_ =	shalt  }
0x42: {  	_ =	shalt  }
0x43: {  	_ =	shalt  }
0x44: {  	_ =	shalt  }
0x45: {  	_ =	shalt  }
0x46: {  	_ =	shalt  }
0x47: {  	_ =	shalt  }
0x48: {  	_ =	shalt  }
0x49: {  	_ =	shalt  }
0x4a: {  	_ =	shalt  }
0x4b: {  	_ =	shalt  }
0x4c: {  	_ =	shalt  }
0x4d: {  	_ =	shalt  }
0x4e: {  	_ =	shalt  }
0x4f: {  	_ =	shalt  }
0x50: {  	_ =	shalt  }
0x51: {  	_ =	shalt  }
0x52: {  	_ =	shalt  }
0x53: {  	_ =	shalt  }
0x54: {  	_ =	shalt  }
0x55: {  	_ =	shalt  }
0x56: {  	_ =	shalt  }
0x57: {  	_ =	shalt  }
0x58: {  	_ =	shalt  }
0x59: {  	_ =	shalt  }
0x5a: {  	_ =	shalt  }
0x5b: {  	_ =	shalt  }
0x5c: {  	_ =	shalt  }
0x5d: {  	_ =	shalt  }
0x5e: {  	_ =	shalt  }
0x5f: {  	_ =	shalt  }
0x60: {  	_ =	shalt  }
0x61: {  	_ =	shalt  }
0x62: {  	_ =	shalt  }
0x63: {  	_ =	shalt  }
0x64: {  	_ =	shalt  }
0x65: {  	_ =	shalt  }
0x66: {  	_ =	shalt  }
0x67: {  	_ =	shalt  }
0x68: {  	_ =	shalt  }
0x69: {  	_ =	shalt  }
0x6a: {  	_ =	shalt  }
0x6b: {  	_ =	shalt  }
0x6c: {  	_ =	shalt  }
0x6d: {  	_ =	shalt  }
0x6e: {  	_ =	shalt  }
0x6f: {  	_ =	shalt  }
0x70: {  	_ =	shalt  }
0x71: {  	_ =	shalt  }
0x72: {  	_ =	shalt  }
0x73: {  	_ =	shalt  }
0x74: {  	_ =	shalt  }
0x75: {  	_ =	shalt  }
0x76: {  	_ =	shalt  }
0x77: {  	_ =	shalt  }
0x78: {  	_ =	shalt  }
0x79: {  	_ =	shalt  }
0x7a: {  	_ =	shalt  }
0x7b: {  	_ =	shalt  }
0x7c: {  	_ =	shalt  }
0x7d: {  	_ =	shalt  }
0x7e: {  	_ =	shalt  }
0x7f: {  	_ =	shalt  }
0x80: {  	_ =	shalt  }
0x81: {  	_ =	shalt  }
0x82: {  	_ =	shalt  }
0x83: {  	_ =	shalt  }
0x84: {  	_ =	shalt  }
0x85: {  	_ =	shalt  }
0x86: {  	_ =	shalt  }
0x87: {  	_ =	shalt  }
.Lfunc_end0:
.L_simem_size_0:
called_computation.1_lowered:
.L_overlay_start_0:
0x88: {  	s2 =	sld [smem:$0x3FD9]  }
0x89: {  	s3 =	sld [smem:$0x3FFE];
	_ =	sdelay $0x1  }
0x8a: {  	s1 =	srdreg.scid  }
0x8b: {  	s0 =	sand.u32 $0x1, s1  }
0x8c: {  	s17 =	sshll.u32 s0, $0xA;
	s2 =	sadd.s32 s3, s2  }
0x8d: {  	s2 =	sadd.s32 s2, s17  }
0x8e: {  	[smem:$0x3FC6] =	sst s2  }
0x8f: {  	_ = 	snop  }
0x90: {  	s2 =	sld [smem:$0x3FD0];
	(tm) =	ssettm $0x1  }
0x91: {  	s18 =	sld [smem:$0x3FFB];
	_ =	sdelay $0x3  }
0x92: {  	_ =	strace s18  }
0x93: {  	s3 =	sld [smem:$0x3FFC];
	_ =	sdelay $0x3  }
0x94: {  	_ =	strace s3  }
0x95: {  	s3 =	sld [smem:$0x3FFD];
	_ =	sdelay $0x3  }
0x96: {  	_ =	strace s3  }
0x97: {  	_ =	strace $0x8FFFFFFF  }
0x98: {  	s19 =	sld [smem:$0x3FDB];
	_ =	sdelay $0x1  }
0x99: {  	s4 =	simm.s32 $_scs_section_size  }
0x9a: {  	s5 =	simm.s32 $_size__tile_overlayer_lowered;
	s6 =	simm.s32 $_tile_overlayer_lowered  }
0x9b: {  	s22 =	simm.s32 $0x1BFF;
	s21 =	sshll.u32 s6, $0x1;
	s3 =	sadd.s32 s4, s19  }
0x9c: {  	s7 =	simm.s32 $0x0;
	s20 =	sshll.u32 s5, $0x1;
	s5 =	sadd.s32 s21, s3  }
0x9d: {  	[timem:s7], [sflag:s22] =	dma.local [hbm:s5], s20  }
0x9e: {  	_ =	swait.ge [sflag:s22], s20  }
0x9f: {  	s4 =	ssub.s32 $0x0, s20;
	[sflag:s22] =	ssyncset.done $0x0  }
0xa0: {  	[sflag:s22] =	ssyncadd.s32 s4;
	_ =	sdelay $0x1  }
0xa1: {  	s23 =	simm.s32 $0x1B8B  }
0xa2: {  	_ =	swait.ge [sflag:s23], $0x1  }
0xa3: {  	[sflag:s23] =	ssyncset.done $0x0  }
0xa4: {  	s25 =	simm.s32 $0x1B8E;
	s24 =	sld [smem:$0x3FFE];
	[sflag:s23] =	ssyncadd.s32 $0xFFFFFFFF  }
0xa5: {  	s26 =	simm.s32 $execute0_lowered;
	[smem:$0x3FD2] =	sst s25  }
0xa6: {  	s5 =	sshll.u32 s26, $0x1;
	_ =	strace $0x8000004C;
	[dreg:$0x1] =	wrdreg $0xFFFFFFFF  }
0xa7: {  	s28 =	simm.s32 $_size_execute0_lowered;
	s3 =	sadd.s32 s3, s5;
	[dreg:$0x0] =	wrdreg $0x0  }
0xa8: {  	s5 =	sshll.u32 s28, $0x1;
	[dreg:$0x2] =	wrdreg s3  }
0xa9: {  	[dreg:$0x3] =	wrdreg s5  }
0xaa: {  	[dreg:$0x4] =	wrdreg $0xC0  }
0xab: {  	_ =	task [dreg:s7], $0x5FFFF  }
0xac: {  	[dreg:$0x1] =	wrdreg $0xFFFFFFFF  }
0xad: {  	[dreg:$0x0] =	wrdreg $0x60  }
0xae: {  	[dreg:$0x2] =	wrdreg s24  }
0xaf: {  	[dreg:$0x3] =	wrdreg s2  }
0xb0: {  	[dreg:$0x4] =	wrdreg $0x9  }
0xb1: {  	_ =	task.clear_ibuf [dreg:s7], $0x5FFFF;
	_ =	strace $0x9000004C  }
0xb2: {  	s29 =	simm.s32 $0x9;
	_ =	strace $0x8000004E  }
0xb3: {  	_ =	swait.ge [sflag:s29], $0x1  }
0xb4: {  	[sflag:s29] =	ssyncadd.s32 $0xFFFFFFFF  }
0xb5: {  	_ =	strace $0x9000004E  }
0xb6: {  	_ =	sfence  }
0xb7: {  	s30 =	sld [smem:$0x0];
	_ =	sdelay $0x2  }
0xb8: {  	s31 =	sshll.u32 s1, $0xD;
	s1 =	sshrl.u32 s1, $0x2  }
0xb9: {  	s3 =	sand.u32 $0x4000, s31;
	s1 =	sadd.s32 s1, s30  }
0xba: {  	s0 =	sor.u32 s3, s0;
	s1 =	sshll.u32 s1, $0x11  }
0xbb: {  	s0 =	sor.u32 s1, s0  }
0xbc: {  	s0 =	sadd.s32 $0x8F2B, s0  }
0xbd: {  	[sflag:s0] =	ssyncadd.remote.s32 $0x1  }
0xbe: {  	_ =	sfence.sel $0xFFFF  }
0xbf: {  	[dreg:$0x0] =	wrdreg $0xFFFFFFFF;
	(pc) =	sbr.abs _section_cstart, $3  }
0xc0: {  	[dreg:$0x1] =	wrdreg $0xFFFFFFFF  }
0xc1: {  	_ =	task.clear_ibuf [dreg:s7], $0x2FFFF;
	_ =	strace $0x9FFFFFFF  }
0xc2: {  	(tm) =	ssettm $0x7FFFFFFF  }
0xc3: {  	_ =	shalt  }
tec
execute0_lowered:
.L_overlay_start_1:
0x0: {  	(tag) =	ssettag $0x1  }
0x1: {  	s7 =	rddreg [dreg:$0x0]  }
0x2: {  	s2 =	rddreg [dreg:$0x1]  }
0x3: {  	s0 =	rddreg [dreg:$0x2]  }
0x4: {  	s1 =	srdreg.scid;
	_ =	strace $0x8000004D;
	s4 =	simm.s32 $0x1  }
0x5: {  	s9 =	simm.s32 $0x3;
	s11 =	simm.s32 $0x0;
	s5 =	sshll.u32 s1, $0x4  }
.Ltmp0:
0x6: {  	s1 =	stileid.u32;
	s5 =	sand.u32 $0x10, s5;
	(pc) =	sbr.rel .LBB2_1-.Ltmp0, $4  }
0x7: {  	p0 =	por $0x0, $0x0;
	s3 =	sadd.s32 $0x1600, s7;
	s6 =	sor.u32 s1, s5  }
0x8: {  	[sflag:s4] =	ssyncpa.u1 $0x0;
	s5 =	simm.s32 $0x2;
	s6 =	sshll.u32 s6, $0x6  }
0x9: {  	s7 =	sadd.s32 $0x6DE00, s7;
	[sflag:s5] =	ssyncpa.u1 $0x0;
	s8 =	sadd.s32 $0x40, s6  }
0xa: {  	vm0 =	vmmov $0xff;
	vm1 =	vcmask $0x3F20;
	[sflag:s9] =	ssyncpa.u1 $0x0;
	s10 =	smov.u32 s6;
	s9 =	simm.s32 $0x0  }
.LBB2_9:
0xb: {  	p1 =	slt.u32 s9, $0x2;
	s11 =	sadd.s32 $0x20, s10  }
0xc: {  	s13 =	smov.u32 s6;
	s9 =	sadd.s32 $0x1, s9;
	p2 =	slt.s32 s11, s8  }
0xd: {  	s13 =	smov.u32 @p2 s11;
	p2 =	sne.s32 s9, $0x4  }
.Ltmp1:
0xe: {  	_ = 	snop;
	(pc) =	sbr.rel @!p2 .LBB2_10-.Ltmp1, $4  }
0xf: {  	s12 =	simm.s32 @!p1 $0x3  }
0x10: {  	_ =	swait.ge @!p1 [sflag:s12], $0x8000  }
0x11: {  	p0 =	por !p0, !p0;
	[sflag:s12] =	ssyncset.done @!p1 $0x0  }
0x12: {  	s11 =	smov.u32 s10;
	s10 =	smov.u32 s13;
	[sflag:s12] =	ssyncadd.s32 @!p1 $0xFFFF8000  }
.LBB2_1:
0x13: {  	p1 =	sgt.u32 s9, $0x1  }
0x14: {  	s12 =	sshll.u32 @!p1 s9, $0x5;
	s13 =	sshrl.u32 @!p1 s10, $0x3  }
0x15: {  	s14 =	sand.u32 @!p1 $0x7, s10;
	s12 =	sxor.u32 @!p1 $0x20, s12;
	s13 =	sadd.s32 @!p1 s7, s13  }
0x16: {  	[tilespmem:s12], [sflag:$0x2] =	stream.linear.gather @!p1 [hbm4b:s13+s14], $0x20, $0x38;
	[tilespmem:$0x10040] =	vst v63  }
0x17: {  	p1 =	seq.s32 s9, $0x0  }
0x18: {  	p2 =	seq.s32 @!p1 s9, $0x3  }
0x19: {  	p1 =	por p1, p2  }
.Ltmp2:
0x1a: {  	_ = 	snop;
	(pc) =	sbr.rel @p1 .LBB2_9-.Ltmp2, $1  }
0x1b: {  	_ =	sdelay $0x3  }
0x1c: {  	s12 =	simm.s32 $0x1  }
0x1d: {  	_ =	swait.ge [sflag:s5], $0x20;
	s13 =	sand.u32 $0x1, s9;
	s12 =	simm.s32 @!p0 $0x0  }
0x1e: {  	s15 =	simm.s32 $0x0;
	p2 =	por $0x1, $0x1;
	s12 =	sshll.u32 s12, $0x11  }
0x1f: {  	[sflag:s5] =	ssyncset.done $0x0;
	s13 =	sshll.u32 s13, $0x5;
	s14 =	sshrl.u32 s12, $0x2  }
0x20: {  	[sflag:s5] =	ssyncadd.s32 $0xFFFFFFE0;
	s12 =	sor.u32 $0x40, s14;
	s14 =	sadd.s32 $0x40, s14  }
.LBB2_3:
0x21: {  	s16 =	sshll.u32 s15, $0x4  }
0x22: {  	s16 =	sand.u32 $0x3FFFFFF0, s16  }
0x23: {  	s16 =	sadd.s32 s16, s13  }
0x24: {  	v0 =	vld.msk [tilespmem:s16+$0x0 ss:$0x1], $0xffff;
	_ =	sdelay $0x4  }
0x25: {  	vm2 =	vgt.s32 v0, $0x0  }
0x26: {  	v0 =	vnsel vm2, $0x0, v0  }
0x27: {  	v0 =	vmin.u32 v0, $0x8FF  }
0x28: {  	v1 =	vshll.u32 v0, $0x7;
	v0 =	vshll.u32 v0, $0x4  }
0x29: {  	v1 =	vand.u32 $0x7FC00, v1;
	v0 =	vand.u32 $0x70, v0  }
0x2a: {  	v0 =	vor.u32 v0, v1  }
0x2b: {  	s31 =	sshll.u32 s15, $0x10  }
0x2c: {  	s15 =	sshra.s32 s31, $0x2  }
0x2d: {  	s15 =	sadd.s32 s15, s14  }
0x2e: {  	s17 =	sadd.s32 $0x0, s15  }
0x2f: {  	[tilespmem:s17], [sflag:$0x1] =	stream.indirect_vreg.gather [hbm:s3], $0x80, v0, vm0, $0x38;
	[tilespmem:$0x10040] =	vst v63  }
0x30: {  	p1 =	por p2, p2;
	s16 =	simm.s32 $0x1000;
	v1 =	vadd.s32 $0x80, v0;
	s17 =	sadd.s32 $0x2000, s17  }
.LBB2_4:
0x31: {  	[tilespmem:s17], [sflag:$0x1] =	stream.indirect_vreg.gather [hbm:s3], $0x80, v0, vm1, $0x38;
	[tilespmem:$0x10040] =	vst v63  }
0x32: {  	v0 =	vmov v1;
	s17 =	smov.u32 s16;
	p2 =	sne.s32 s16, $0x7000  }
.Ltmp3:
0x33: {  	s16 =	sadd.s32 $0x1000, s16;
	(pc) =	sbr.rel @p2 .LBB2_4-.Ltmp3, $4  }
0x34: {  	s17 =	sshra.s32 s17, $0x2  }
0x35: {  	s17 =	sadd.s32 s17, s15  }
0x36: {  	[tilespmem:s17], [sflag:$0x1] =	stream.indirect_vreg.gather [hbm:s3], $0x80, v1, vm0, $0x38;
	[tilespmem:$0x10040] =	vst v63  }
0x37: {  	s17 =	sadd.s32 $0x2000, s17;
	v1 =	vadd.s32 $0x80, v1  }
0x38: {  	_ = 	snop  }
.Ltmp4:
0x39: {  	_ = 	snop;
	(pc) =	sbr.rel @p1 .LBB2_3-.Ltmp4, $3  }
0x3a: {  	_ =	sdelay $0x1  }
0x3b: {  	[tilespmem:s17], [sflag:$0x1] =	stream.indirect_vreg.gather [hbm:s3], $0x80, v0, vm1, $0x38;
	[tilespmem:$0x10040] =	vst v63  }
0x3c: {  	s15 =	simm.s32 $0x1;
	p2 =	por $0x0, $0x0  }
0x3d: {  	s13 =	sshll.u32 s11, $0x7  }
0x3e: {  	s31 =	sshll.u32 s11, $0x4;
	s13 =	sand.u32 $0xFFFFFC00, s13  }
0x3f: {  	_ =	swait.ge [sflag:s4], $0x8000;
	s11 =	sand.u32 $0x70, s31;
	s13 =	sadd.s32 s13, s2  }
0x40: {  	s14 =	sadd.s32 $0x2000, s12;
	[sflag:s4] =	ssyncset.done $0x0;
	s11 =	sadd.s32 s11, s13  }
0x41: {  	[sflag:s4] =	ssyncadd.s32 $0xFFFF8000;
	s13 =	simm.s32 $0x400;
	s15 =	sadd.s32 $0x0, s11  }
.LBB2_7:
0x42: {  	[hbm:s15] =	stream.linear.scatter [tilespmem:s12], [sflag:$0x3], $0x2000, $0x38;
	[tilespmem:$0x10040] =	vst v63  }
0x43: {  	s15 =	smov.u32 s13;
	s12 =	smov.u32 s14;
	p1 =	sne.s32 s13, $0xC00  }
.Ltmp5:
0x44: {  	s13 =	sadd.s32 $0x400, s13;
	(pc) =	sbr.rel @p1 .LBB2_7-.Ltmp5, $2  }
0x45: {  	_ =	sdelay $0x2  }
0x46: {  	s14 =	sadd.s32 $0x2000, s14;
	s15 =	sadd.s32 s15, s11  }
.Ltmp6:
0x47: {  	(pc) =	sbr.rel .LBB2_9-.Ltmp6, $2  }
0x48: {  	_ =	sdelay $0x2  }
0x49: {  	[hbm:s15] =	stream.linear.scatter [tilespmem:s12], [sflag:$0x3], $0x2000, $0x38;
	[tilespmem:$0x10040] =	vst v63  }
.LBB2_10:
0x4a: {  	_ =	sfence.sel $0x180000  }
0x4b: {  	s2 =	simm.s32 $0x2;
	[bflag:$0x0] =	sbarrier.arrive $0xFFFF  }
0x4c: {  	s30 =	simm.s32 $0x3;
	[sflag:s2] =	ssyncpa.u1 $0x1  }
0x4d: {  	s31 =	simm.s32 $0x1;
	[sflag:s30] =	ssyncpa.u1 $0x1  }
0x4e: {  	[sflag:s31] =	ssyncpa.u1 $0x1  }
0x4f: {  	p0 =	sne.s32 s1, $0x0;
	_ =	strace $0x9000004D  }
0x50: {  	s0 =	sadd.s32 @!p0 $0x100000, s0;
	[bflag:$0x2] =	sbarrier.arrive $0xFFFF  }
0x51: {  	[sflag:s0] =	ssyncadd.tile.s32 @!p0 $0x1;
	_ =	shalt  }
.Lfunc_end2:
_tile_overlayer_lowered:
.L_overlay_start_2:
0x52: {  	(tag) =	ssettag $0x2  }
0x53: {  	s0 =	rddreg [dreg:$0x0];
	s2 =	stileid.u32  }
0x54: {  	s1 =	rddreg [dreg:$0x1];
	p0 =	sne.s32 s2, $0x0  }
0x55: {  	s3 =	rddreg [dreg:$0x2];
	[bflag:$0x3] =	sbarrier.arrive $0xFFFF;
	s2 =	simm.s32 @!p0 $0x1C01  }
0x56: {  	[timem:s3], [sflag:s2] =	dma.local @!p0 [hbm:s0], s1  }
0x57: {  	s0 =	simm.s32 @!p0 $0x1  }
0x58: {  	_ =	swait.ge @!p0 [sflag:s0], s1  }
0x59: {  	s1 =	ssub.s32 @!p0 $0x0, s1;
	[sflag:s0] =	ssyncset.done @!p0 $0x0  }
0x5a: {  	[sflag:s0] =	ssyncadd.s32 @!p0 s1  }
0x5b: {  	[bflag:$0x3] =	sbarrier.arrive $0xFFFF  }
0x5c: {  	_ =	shalt  }

// kernel: gather_offload_async_start
scs
__scs_entry_jumppad:
0x0: {  	(pc) =	sbr.rel $0x88, $3  }
0x1: {  	(tag) =	ssettag $0x0;
	lr =	simm.s32 $0x1  }
0x2: {  	[smem:$0x3F9F] =	sst lr;
	_ =	strace $0xD0000000  }
0x3: {  	_ = 	snop  }
0x4: {  	_ = 	snop  }
0x5: {  	_ = 	snop  }
0x6: {  	_ = 	snop  }
0x7: {  	_ = 	snop  }
__scs_overlays_trampoline_lowered:
0x8: {  	[smem:$0x3FAE] =	sst s0  }
0x9: {  	[smem:$0x3FAF] =	sst s1  }
0xa: {  	[smem:$0x3FB0] =	sst s2  }
0xb: {  	[smem:$0x3FB1] =	sst s3  }
0xc: {  	[smem:$0x3FB2] =	sst s4  }
0xd: {  	[smem:$0x3FB3] =	sst s5  }
0xe: {  	[smem:$0x3FB4] =	sst s6  }
0xf: {  	[smem:$0x3FB5] =	sst s7  }
0x10: {  	[smem:$0x3FB6] =	sst s8  }
0x11: {  	[smem:$0x3FB7] =	sst s9;
	s0 =	simm.s32 @!p0 $0x0  }
0x12: {  	s1 =	sld [smem:$0x3F9D];
	s0 =	simm.s32 @p0 $0x1  }
0x13: {  	[smem:$0x3FB8] =	sst s0;
	s0 =	simm.s32 @!p1 $0x0  }
0x14: {  	s2 =	sld [smem:$0x3F9C];
	s0 =	simm.s32 @p1 $0x1  }
0x15: {  	[smem:$0x3FB9] =	sst s0;
	s0 =	simm.s32 @!p2 $0x0  }
0x16: {  	s3 =	sld [smem:$0x3FDB];
	s0 =	simm.s32 @p2 $0x1  }
0x17: {  	s4 =	simm.s32 $0x1BF5;
	[smem:$0x3FBB] =	sst s0  }
0x18: {  	s0 =	sld [smem:$0x3F9E];
	_ =	swait.ge [sflag:s4], $0x0  }
0x19: {  	s7 =	sld [smem:$0x3F9F]  }
0x1a: {  	s8 =	sadd.s32 $0xFFFFE003, lr  }
0x1b: {  	s9 =	sadd.s32 $0xFFFFFEF7, lr;
	s5 =	simm.s32 $0xFFFFFFFF;
	p2 =	slt.u32 s8, $0xFFFFF086  }
0x1c: {  	p1 =	slt.u32 s9, $0xF7A;
	s5 =	simm.s32 @!p2 $0x0  }
0x1d: {  	s5 =	simm.s32 @p1 $0x1;
	p0 =	seq.s32 s7, s2  }
0x1e: {  	s7 =	smul.u32 @!p0 $0xF7A, s2;
	p2 =	seq.s32 @!p0 s5, $0x0  }
0x1f: {  	s9 =	smul.u32 $0xF7A, s1;
	s8 =	simm.s32 @!p0 $0x1BF5;
	p2 =	por !p2, p0  }
0x20: {  	[sflag:s8] =	ssyncset.s32 @!p0 $0xFFFFF086;
	s6 =	sadd.s32 @!p0 s3, s7;
	s7 =	simm.s32 @!p0 $0x108  }
0x21: {  	s3 =	sadd.s32 s3, s9;
	s6 =	sadd.s32 @!p0 $0x88, s6;
	s7 =	simm.s32 @p2 $0x1082  }
0x22: {  	[simem:s7], [sflag:s8] =	dma.local @!p0 [hbm:s6], $0xF7A  }
0x23: {  	s9 =	sor.u32 $0xD0000000, s2;
	s6 =	simm.s32 $0x108;
	_ =	swait.ge @!p0 [sflag:s8], $0x0  }
0x24: {  	s3 =	sadd.s32 $0x88, s3;
	s6 =	simm.s32 @!p1 $0x1082;
	[sflag:s4] =	ssyncset.s32 $0xFFFFF086  }
0x25: {  	[simem:s6], [sflag:s4] =	dma.local [hbm:s3], $0xF7A  }
0x26: {  	[smem:$0x3F9F] =	sst s1;
	(tag) =	ssettag s2;
	_ =	strace s9  }
0x27: {  	s1 =	sld [smem:$0x3FAF]  }
0x28: {  	s2 =	sld [smem:$0x3FB0]  }
0x29: {  	s4 =	sld [smem:$0x3FB2]  }
0x2a: {  	p0 =	seq.s32 s5, $0x0;
	s5 =	sld [smem:$0x3FB3]  }
0x2b: {  	s6 =	sld [smem:$0x3FB4]  }
0x2c: {  	s7 =	sld [smem:$0x3FB5]  }
0x2d: {  	s3 =	simm.s32 $0x108;
	s8 =	sld [smem:$0x3FB6]  }
0x2e: {  	s3 =	simm.s32 @!p0 $0x1082;
	s9 =	sld [smem:$0x3FB7]  }
0x2f: {  	lr =	sadd.s32 s0, s3;
	s0 =	sld [smem:$0x3FAE]  }
0x30: {  	s3 =	sld [smem:$0x3FB1]  }
0x31: {  	[smem:$0x3FBA] =	sst s10  }
0x32: {  	s10 =	sld [smem:$0x3FB8];
	_ =	sdelay $0x3  }
0x33: {  	p0 =	seq.s32 s10, $0x1;
	s10 =	sld [smem:$0x3FBA];
	_ =	sdelay $0x3  }
0x34: {  	[smem:$0x3FBA] =	sst s10  }
0x35: {  	s10 =	sld [smem:$0x3FB9];
	_ =	sdelay $0x3  }
0x36: {  	p1 =	seq.s32 s10, $0x1;
	s10 =	sld [smem:$0x3FBA];
	_ =	sdelay $0x3  }
0x37: {  	[smem:$0x3FBA] =	sst s10  }
0x38: {  	s10 =	sld [smem:$0x3FBB]  }
0x39: {  	_ = 	snop;
	(pc) =	sbr.ind lr, $3  }
0x3a: {  	_ = 	snop  }
0x3b: {  	_ = 	snop  }
0x3c: {  	p2 =	seq.s32 s10, $0x1;
	s10 =	sld [smem:$0x3FBA]  }
0x3d: {  	_ =	shalt  }
0x3e: {  	_ =	shalt  }
0x3f: {  	_ =	shalt  }
0x40: {  	_ =	shalt  }
0x41: {  	_ =	shalt  }
0x42: {  	_ =	shalt  }
0x43: {  	_ =	shalt  }
0x44: {  	_ =	shalt  }
0x45: {  	_ =	shalt  }
0x46: {  	_ =	shalt  }
0x47: {  	_ =	shalt  }
0x48: {  	_ =	shalt  }
0x49: {  	_ =	shalt  }
0x4a: {  	_ =	shalt  }
0x4b: {  	_ =	shalt  }
0x4c: {  	_ =	shalt  }
0x4d: {  	_ =	shalt  }
0x4e: {  	_ =	shalt  }
0x4f: {  	_ =	shalt  }
0x50: {  	_ =	shalt  }
0x51: {  	_ =	shalt  }
0x52: {  	_ =	shalt  }
0x53: {  	_ =	shalt  }
0x54: {  	_ =	shalt  }
0x55: {  	_ =	shalt  }
0x56: {  	_ =	shalt  }
0x57: {  	_ =	shalt  }
0x58: {  	_ =	shalt  }
0x59: {  	_ =	shalt  }
0x5a: {  	_ =	shalt  }
0x5b: {  	_ =	shalt  }
0x5c: {  	_ =	shalt  }
0x5d: {  	_ =	shalt  }
0x5e: {  	_ =	shalt  }
0x5f: {  	_ =	shalt  }
0x60: {  	_ =	shalt  }
0x61: {  	_ =	shalt  }
0x62: {  	_ =	shalt  }
0x63: {  	_ =	shalt  }
0x64: {  	_ =	shalt  }
0x65: {  	_ =	shalt  }
0x66: {  	_ =	shalt  }
0x67: {  	_ =	shalt  }
0x68: {  	_ =	shalt  }
0x69: {  	_ =	shalt  }
0x6a: {  	_ =	shalt  }
0x6b: {  	_ =	shalt  }
0x6c: {  	_ =	shalt  }
0x6d: {  	_ =	shalt  }
0x6e: {  	_ =	shalt  }
0x6f: {  	_ =	shalt  }
0x70: {  	_ =	shalt  }
0x71: {  	_ =	shalt  }
0x72: {  	_ =	shalt  }
0x73: {  	_ =	shalt  }
0x74: {  	_ =	shalt  }
0x75: {  	_ =	shalt  }
0x76: {  	_ =	shalt  }
0x77: {  	_ =	shalt  }
0x78: {  	_ =	shalt  }
0x79: {  	_ =	shalt  }
0x7a: {  	_ =	shalt  }
0x7b: {  	_ =	shalt  }
0x7c: {  	_ =	shalt  }
0x7d: {  	_ =	shalt  }
0x7e: {  	_ =	shalt  }
0x7f: {  	_ =	shalt  }
0x80: {  	_ =	shalt  }
0x81: {  	_ =	shalt  }
0x82: {  	_ =	shalt  }
0x83: {  	_ =	shalt  }
0x84: {  	_ =	shalt  }
0x85: {  	_ =	shalt  }
0x86: {  	_ =	shalt  }
0x87: {  	_ =	shalt  }
.Lfunc_end0:
.L_simem_size_0:
called_computation_lowered:
.L_overlay_start_0:
0x88: {  	s2 =	sld [smem:$0x3FD9]  }
0x89: {  	s3 =	sld [smem:$0x3FFE];
	_ =	sdelay $0x1  }
0x8a: {  	s1 =	srdreg.scid  }
0x8b: {  	s0 =	sand.u32 $0x1, s1  }
0x8c: {  	s17 =	sshll.u32 s0, $0xA;
	s2 =	sadd.s32 s3, s2  }
0x8d: {  	s2 =	sadd.s32 s2, s17  }
0x8e: {  	[smem:$0x3FC6] =	sst s2  }
0x8f: {  	_ = 	snop  }
0x90: {  	s2 =	sld [smem:$0x3FD0];
	(tm) =	ssettm $0x1  }
0x91: {  	s18 =	sld [smem:$0x3FFB];
	_ =	sdelay $0x3  }
0x92: {  	_ =	strace s18  }
0x93: {  	s3 =	sld [smem:$0x3FFC];
	_ =	sdelay $0x3  }
0x94: {  	_ =	strace s3  }
0x95: {  	s3 =	sld [smem:$0x3FFD];
	_ =	sdelay $0x3  }
0x96: {  	_ =	strace s3  }
0x97: {  	_ =	strace $0x8FFFFFFF  }
0x98: {  	s19 =	sld [smem:$0x3FDB];
	_ =	sdelay $0x1  }
0x99: {  	s4 =	simm.s32 $_scs_section_size  }
0x9a: {  	s5 =	simm.s32 $_size__tile_overlayer_lowered;
	s6 =	simm.s32 $_tile_overlayer_lowered  }
0x9b: {  	s22 =	simm.s32 $0x1BFF;
	s21 =	sshll.u32 s6, $0x1;
	s3 =	sadd.s32 s4, s19  }
0x9c: {  	s7 =	simm.s32 $0x0;
	s20 =	sshll.u32 s5, $0x1;
	s5 =	sadd.s32 s21, s3  }
0x9d: {  	[timem:s7], [sflag:s22] =	dma.local [hbm:s5], s20  }
0x9e: {  	_ =	swait.ge [sflag:s22], s20  }
0x9f: {  	s4 =	ssub.s32 $0x0, s20;
	[sflag:s22] =	ssyncset.done $0x0  }
0xa0: {  	[sflag:s22] =	ssyncadd.s32 s4;
	_ =	sdelay $0x1  }
0xa1: {  	s23 =	simm.s32 $0x1B8B  }
0xa2: {  	_ =	swait.ge [sflag:s23], $0x1  }
0xa3: {  	[sflag:s23] =	ssyncset.done $0x0  }
0xa4: {  	s25 =	simm.s32 $0x1B8E;
	s24 =	sld [smem:$0x3FFE];
	[sflag:s23] =	ssyncadd.s32 $0xFFFFFFFF  }
0xa5: {  	s26 =	simm.s32 $execute0_lowered;
	[smem:$0x3FD2] =	sst s25  }
0xa6: {  	s5 =	sshll.u32 s26, $0x1;
	_ =	strace $0x80000046;
	[dreg:$0x1] =	wrdreg $0xFFFFFFFF  }
0xa7: {  	s28 =	simm.s32 $_size_execute0_lowered;
	s3 =	sadd.s32 s3, s5;
	[dreg:$0x0] =	wrdreg $0x0  }
0xa8: {  	s5 =	sshll.u32 s28, $0x1;
	[dreg:$0x2] =	wrdreg s3  }
0xa9: {  	[dreg:$0x3] =	wrdreg s5  }
0xaa: {  	[dreg:$0x4] =	wrdreg $0xC0  }
0xab: {  	_ =	task [dreg:s7], $0x5FFFF  }
0xac: {  	[dreg:$0x1] =	wrdreg $0xFFFFFFFF  }
0xad: {  	[dreg:$0x0] =	wrdreg $0x60  }
0xae: {  	[dreg:$0x2] =	wrdreg s2  }
0xaf: {  	[dreg:$0x3] =	wrdreg s24  }
0xb0: {  	[dreg:$0x4] =	wrdreg $0x9  }
0xb1: {  	_ =	task.clear_ibuf [dreg:s7], $0x5FFFF;
	_ =	strace $0x90000046  }
0xb2: {  	s29 =	simm.s32 $0x9;
	_ =	strace $0x80000048  }
0xb3: {  	_ =	swait.ge [sflag:s29], $0x1  }
0xb4: {  	[sflag:s29] =	ssyncadd.s32 $0xFFFFFFFF  }
0xb5: {  	_ =	strace $0x90000048  }
0xb6: {  	_ =	sfence  }
0xb7: {  	s30 =	sld [smem:$0x0];
	_ =	sdelay $0x2  }
0xb8: {  	s31 =	sshll.u32 s1, $0xD;
	s1 =	sshrl.u32 s1, $0x2  }
0xb9: {  	s3 =	sand.u32 $0x4000, s31;
	s1 =	sadd.s32 s1, s30  }
0xba: {  	s0 =	sor.u32 s3, s0;
	s1 =	sshll.u32 s1, $0x11  }
0xbb: {  	s0 =	sor.u32 s1, s0  }
0xbc: {  	s0 =	sadd.s32 $0x8F2B, s0  }
0xbd: {  	[sflag:s0] =	ssyncadd.remote.s32 $0x1  }
0xbe: {  	_ =	sfence.sel $0xFFFF  }
0xbf: {  	[dreg:$0x0] =	wrdreg $0xFFFFFFFF;
	(pc) =	sbr.abs _section_cstart, $3  }
0xc0: {  	[dreg:$0x1] =	wrdreg $0xFFFFFFFF  }
0xc1: {  	_ =	task.clear_ibuf [dreg:s7], $0x2FFFF;
	_ =	strace $0x9FFFFFFF  }
0xc2: {  	(tm) =	ssettm $0x7FFFFFFF  }
0xc3: {  	_ =	shalt  }
tec
execute0_lowered:
.L_overlay_start_1:
0x0: {  	(tag) =	ssettag $0x1  }
0x1: {  	s0 =	srdreg.scid  }
0x2: {  	s1 =	sshll.u32 s0, $0x4  }
0x3: {  	s0 =	stileid.u32;
	s1 =	sand.u32 $0x10, s1  }
0x4: {  	s2 =	sor.u32 s0, s1  }
0x5: {  	s3 =	smin.u32 s2, $0x10  }
0x6: {  	s1 =	sshrl.u32 s1, $0x4;
	s2 =	sadd.s32 s2, s3  }
0x7: {  	s1 =	ssub.s32 s2, s1  }
0x8: {  	s1 =	smul.u32 $0x30, s1;
	_ =	sdelay $0x1  }
0x9: {  	s2 =	smul.u32 $0x30, s2;
	s1 =	sadd.s32 $0x60, s1  }
0xa: {  	s3 =	smin.u32 s1, $0x900  }
0xb: {  	s7 =	ssub.s32 s3, s2  }
0xc: {  	p0 =	sgt.s32 s7, $0x0  }
0xd: {  	s7 =	simm.s32 @!p0 $0x0  }
0xe: {  	s4 =	rddreg [dreg:$0x0];
	s31 =	smul.u32 $0xAAAB, s7  }
0xf: {  	s9 =	rddreg [dreg:$0x1];
	s6 =	simm.s32 $0x1  }
0x10: {  	s11 =	simm.s32 $0x3;
	s13 =	simm.s32 $0x0;
	s8 =	sshrl.u32 s31, $0x15  }
0x11: {  	s12 =	simm.s32 $0x0;
	s5 =	sadd.s32 $0x1600, s9;
	s10 =	smul.u32 $0x30, s8  }
.Ltmp0:
0x12: {  	s9 =	sadd.s32 $0x1800, s9;
	s1 =	rddreg [dreg:$0x2];
	(pc) =	sbr.rel .LBB2_1-.Ltmp0, $4  }
0x13: {  	_ =	strace $0x80000047;
	p0 =	sne.s32 s7, s10;
	s10 =	simm.s32 $0x1  }
0x14: {  	[sflag:s6] =	ssyncpa.u1 $0x0;
	s7 =	simm.s32 $0x2;
	s10 =	simm.s32 @!p0 $0x0  }
0x15: {  	[sflag:s7] =	ssyncpa.u1 $0x0;
	p0 =	por $0x0, $0x0;
	s8 =	sadd.s32 s8, s10  }
0x16: {  	vm0 =	vmmov $0xff;
	vm1 =	vcmask $0x3F20;
	[sflag:s11] =	ssyncpa.u1 $0x0;
	s11 =	smov.u32 s2;
	s10 =	sadd.s32 $0x1, s8  }
.LBB2_9:
0x17: {  	s13 =	sadd.s32 $0x30, s11  }
0x18: {  	s15 =	smov.u32 s2;
	p2 =	slt.s32 s13, s3  }
0x19: {  	s15 =	smov.u32 @p2 s13;
	p2 =	sne.s32 s12, s10  }
.Ltmp1:
0x1a: {  	p1 =	slt.u32 s12, $0x2;
	(pc) =	sbr.rel @!p2 .LBB2_10-.Ltmp1, $4  }
0x1b: {  	s14 =	simm.s32 @!p1 $0x3  }
0x1c: {  	s16 =	sadd.s32 $0x1, s12;
	_ =	swait.ge @!p1 [sflag:s14], $0xC000  }
0x1d: {  	p0 =	por !p0, !p0;
	s13 =	smov.u32 s11;
	[sflag:s14] =	ssyncset.done @!p1 $0x0  }
0x1e: {  	s12 =	smov.u32 s16;
	s11 =	smov.u32 s15;
	[sflag:s14] =	ssyncadd.s32 @!p1 $0xFFFF4000  }
.LBB2_1:
0x1f: {  	p1 =	sge.u32 s12, s8  }
0x20: {  	s14 =	sxor.u32 @!p1 $0xFFFFFFFF, s12  }
0x21: {  	s14 =	sand.u32 @!p1 $0x1, s14  }
0x22: {  	s14 =	smul.u32 @!p1 $0xC0, s14  }
0x23: {  	s31 =	sadd.s32 $0xFFFFFFFF, s12;
	s15 =	sshrl.u32 @!p1 s11, $0x3  }
0x24: {  	s16 =	sand.u32 @!p1 $0x7, s11;
	s15 =	sadd.s32 @!p1 s5, s15;
	s14 =	sshrl.u32 @!p1 s14, $0x2  }
0x25: {  	[tilespmem:s14], [sflag:$0x2] =	stream.linear.gather @!p1 [hbm4b:s15+s16], $0x30, $0x38;
	[tilespmem:$0x18060] =	vst v63  }
0x26: {  	p1 =	sge.u32 s31, s8  }
.Ltmp2:
0x27: {  	_ = 	snop;
	(pc) =	sbr.rel @p1 .LBB2_9-.Ltmp2, $1  }
0x28: {  	_ =	sdelay $0x3  }
0x29: {  	s14 =	simm.s32 $0x1  }
0x2a: {  	s14 =	simm.s32 @!p0 $0x0  }
0x2b: {  	s14 =	smul.u32 $0x30000, s14  }
0x2c: {  	s15 =	sand.u32 $0x1, s12  }
0x2d: {  	_ =	swait.ge [sflag:s7], $0x30;
	s15 =	smul.u32 $0xC0, s15;
	s14 =	sshrl.u32 s14, $0x2  }
0x2e: {  	s16 =	simm.s32 $0x0;
	[sflag:s7] =	ssyncset.done $0x0;
	s14 =	sor.u32 $0x60, s14  }
0x2f: {  	[sflag:s7] =	ssyncadd.s32 $0xFFFFFFD0;
	s15 =	sshrl.u32 s15, $0x2;
	s17 =	smov.u32 s14  }
.LBB2_3:
0x30: {  	s18 =	sshll.u32 s16, $0x4  }
0x31: {  	s18 =	sand.u32 $0x3FFFFFF0, s18  }
0x32: {  	s18 =	sadd.s32 s18, s15  }
0x33: {  	v0 =	vld.msk [tilespmem:s18+$0x0 ss:$0x1], $0xffff;
	_ =	sdelay $0x4  }
0x34: {  	vm2 =	vgt.s32 v0, $0x0  }
0x35: {  	v0 =	vnsel vm2, $0x0, v0  }
0x36: {  	v0 =	vmin.u32 v0, $0x7FF  }
0x37: {  	v1 =	vshll.u32 v0, $0x7;
	v0 =	vshll.u32 v0, $0x4  }
0x38: {  	v1 =	vand.u32 $0x3FC00, v1;
	v0 =	vand.u32 $0x70, v0  }
0x39: {  	v0 =	vor.u32 v0, v1;
	_ =	sdelay $0x3  }
0x3a: {  	s19 =	sadd.s32 $0x0, s17  }
0x3b: {  	[tilespmem:s19], [sflag:$0x1] =	stream.indirect_vreg.gather [hbm:s4], $0x80, v0, vm0, $0x38;
	[tilespmem:$0x18060] =	vst v63  }
0x3c: {  	s18 =	simm.s32 $0x1000;
	v1 =	vadd.s32 $0x80, v0;
	s19 =	sadd.s32 $0x2000, s19  }
.LBB2_4:
0x3d: {  	[tilespmem:s19], [sflag:$0x1] =	stream.indirect_vreg.gather [hbm:s4], $0x80, v0, vm1, $0x38;
	[tilespmem:$0x18060] =	vst v63  }
0x3e: {  	v0 =	vmov v1;
	s19 =	smov.u32 s18;
	p1 =	sne.s32 s18, $0x7000  }
.Ltmp3:
0x3f: {  	s18 =	sadd.s32 $0x1000, s18;
	(pc) =	sbr.rel @p1 .LBB2_4-.Ltmp3, $4  }
0x40: {  	s19 =	sshra.s32 s19, $0x2  }
0x41: {  	s19 =	sadd.s32 s19, s17  }
0x42: {  	[tilespmem:s19], [sflag:$0x1] =	stream.indirect_vreg.gather [hbm:s4], $0x80, v1, vm0, $0x38;
	[tilespmem:$0x18060] =	vst v63  }
0x43: {  	s19 =	sadd.s32 $0x2000, s19;
	v1 =	vadd.s32 $0x80, v1  }
0x44: {  	s16 =	sadd.s32 $0x1, s16  }
0x45: {  	p1 =	sne.s32 s16, $0x3  }
.Ltmp4:
0x46: {  	_ = 	snop;
	(pc) =	sbr.rel @p1 .LBB2_3-.Ltmp4, $3  }
0x47: {  	_ =	sdelay $0x1  }
0x48: {  	[tilespmem:s19], [sflag:$0x1] =	stream.indirect_vreg.gather [hbm:s4], $0x80, v0, vm1, $0x38;
	[tilespmem:$0x18060] =	vst v63  }
0x49: {  	s17 =	sadd.s32 $0x4000, s17  }
0x4a: {  	s15 =	sshll.u32 s13, $0x7  }
0x4b: {  	s31 =	sshll.u32 s13, $0x4;
	s15 =	sand.u32 $0xFFFFFC00, s15  }
0x4c: {  	_ =	swait.ge [sflag:s6], $0xC000;
	s13 =	sand.u32 $0x70, s31;
	s15 =	sadd.s32 s15, s9  }
0x4d: {  	s16 =	sadd.s32 $0x2000, s14;
	[sflag:s6] =	ssyncset.done $0x0;
	s13 =	sadd.s32 s13, s15  }
0x4e: {  	[sflag:s6] =	ssyncadd.s32 $0xFFFF4000;
	s15 =	simm.s32 $0x400;
	s17 =	sadd.s32 $0x0, s13  }
.LBB2_7:
0x4f: {  	[hbm:s17] =	stream.linear.scatter [tilespmem:s14], [sflag:$0x3], $0x2000, $0x38;
	[tilespmem:$0x18060] =	vst v63  }
0x50: {  	s17 =	smov.u32 s15;
	s14 =	smov.u32 s16;
	p1 =	sne.s32 s15, $0x1400  }
.Ltmp5:
0x51: {  	s15 =	sadd.s32 $0x400, s15;
	(pc) =	sbr.rel @p1 .LBB2_7-.Ltmp5, $2  }
0x52: {  	_ =	sdelay $0x2  }
0x53: {  	s16 =	sadd.s32 $0x2000, s16;
	s17 =	sadd.s32 s17, s13  }
.Ltmp6:
0x54: {  	(pc) =	sbr.rel .LBB2_9-.Ltmp6, $2  }
0x55: {  	_ =	sdelay $0x2  }
0x56: {  	[hbm:s17] =	stream.linear.scatter [tilespmem:s14], [sflag:$0x3], $0x2000, $0x38;
	[tilespmem:$0x18060] =	vst v63  }
.LBB2_10:
0x57: {  	_ =	sfence.sel $0x180000  }
0x58: {  	s2 =	simm.s32 $0x2;
	[bflag:$0x0] =	sbarrier.arrive $0xFFFF  }
0x59: {  	s30 =	simm.s32 $0x3;
	[sflag:s2] =	ssyncpa.u1 $0x1  }
0x5a: {  	s31 =	simm.s32 $0x1;
	[sflag:s30] =	ssyncpa.u1 $0x1  }
0x5b: {  	[sflag:s31] =	ssyncpa.u1 $0x1  }
0x5c: {  	p0 =	sne.s32 s0, $0x0;
	_ =	strace $0x90000047  }
0x5d: {  	s0 =	sadd.s32 @!p0 $0x100000, s1;
	[bflag:$0x2] =	sbarrier.arrive $0xFFFF  }
0x5e: {  	[sflag:s0] =	ssyncadd.tile.s32 @!p0 $0x1;
	_ =	shalt  }
.Lfunc_end2:
_tile_overlayer_lowered:
.L_overlay_start_2:
0x5f: {  	(tag) =	ssettag $0x2  }
0x60: {  	s0 =	rddreg [dreg:$0x0];
	s2 =	stileid.u32  }
0x61: {  	s1 =	rddreg [dreg:$0x1];
	p0 =	sne.s32 s2, $0x0  }
0x62: {  	s3 =	rddreg [dreg:$0x2];
	[bflag:$0x3] =	sbarrier.arrive $0xFFFF;
	s2 =	simm.s32 @!p0 $0x1C01  }
0x63: {  	[timem:s3], [sflag:s2] =	dma.local @!p0 [hbm:s0], s1  }
0x64: {  	s0 =	simm.s32 @!p0 $0x1  }
0x65: {  	_ =	swait.ge @!p0 [sflag:s0], s1  }
0x66: {  	s1 =	ssub.s32 @!p0 $0x0, s1;
	[sflag:s0] =	ssyncset.done @!p0 $0x0  }
0x67: {  	[sflag:s0] =	ssyncadd.s32 @!p0 s1  }
0x68: {  	[bflag:$0x3] =	sbarrier.arrive $0xFFFF  }
0x69: {  	_ =	shalt  }

// kernel: kernel.5.cloned.1.call-start
scs
__scs_entry_jumppad:
0x0: {  	(pc) =	sbr.rel $0x88, $3  }
0x1: {  	(tag) =	ssettag $0x0;
	lr =	simm.s32 $0x1  }
0x2: {  	[smem:$0x3F9F] =	sst lr;
	_ =	strace $0xD0000000  }
0x3: {  	_ = 	snop  }
0x4: {  	_ = 	snop  }
0x5: {  	_ = 	snop  }
0x6: {  	_ = 	snop  }
0x7: {  	_ = 	snop  }
__scs_overlays_trampoline_lowered:
0x8: {  	[smem:$0x3FAE] =	sst s0  }
0x9: {  	[smem:$0x3FAF] =	sst s1  }
0xa: {  	[smem:$0x3FB0] =	sst s2  }
0xb: {  	[smem:$0x3FB1] =	sst s3  }
0xc: {  	[smem:$0x3FB2] =	sst s4  }
0xd: {  	[smem:$0x3FB3] =	sst s5  }
0xe: {  	[smem:$0x3FB4] =	sst s6  }
0xf: {  	[smem:$0x3FB5] =	sst s7  }
0x10: {  	[smem:$0x3FB6] =	sst s8  }
0x11: {  	[smem:$0x3FB7] =	sst s9;
	s0 =	simm.s32 @!p0 $0x0  }
0x12: {  	s1 =	sld [smem:$0x3F9D];
	s0 =	simm.s32 @p0 $0x1  }
0x13: {  	[smem:$0x3FB8] =	sst s0;
	s0 =	simm.s32 @!p1 $0x0  }
0x14: {  	s2 =	sld [smem:$0x3F9C];
	s0 =	simm.s32 @p1 $0x1  }
0x15: {  	[smem:$0x3FB9] =	sst s0;
	s0 =	simm.s32 @!p2 $0x0  }
0x16: {  	s3 =	sld [smem:$0x3FDB];
	s0 =	simm.s32 @p2 $0x1  }
0x17: {  	s4 =	simm.s32 $0x1BF5;
	[smem:$0x3FBB] =	sst s0  }
0x18: {  	s0 =	sld [smem:$0x3F9E];
	_ =	swait.ge [sflag:s4], $0x0  }
0x19: {  	s7 =	sld [smem:$0x3F9F]  }
0x1a: {  	s8 =	sadd.s32 $0xFFFFE003, lr  }
0x1b: {  	s9 =	sadd.s32 $0xFFFFFEF7, lr;
	s5 =	simm.s32 $0xFFFFFFFF;
	p2 =	slt.u32 s8, $0xFFFFF086  }
0x1c: {  	p1 =	slt.u32 s9, $0xF7A;
	s5 =	simm.s32 @!p2 $0x0  }
0x1d: {  	s5 =	simm.s32 @p1 $0x1;
	p0 =	seq.s32 s7, s2  }
0x1e: {  	s7 =	smul.u32 @!p0 $0xF7A, s2;
	p2 =	seq.s32 @!p0 s5, $0x0  }
0x1f: {  	s9 =	smul.u32 $0xF7A, s1;
	s8 =	simm.s32 @!p0 $0x1BF5;
	p2 =	por !p2, p0  }
0x20: {  	[sflag:s8] =	ssyncset.s32 @!p0 $0xFFFFF086;
	s6 =	sadd.s32 @!p0 s3, s7;
	s7 =	simm.s32 @!p0 $0x108  }
0x21: {  	s3 =	sadd.s32 s3, s9;
	s6 =	sadd.s32 @!p0 $0x88, s6;
	s7 =	simm.s32 @p2 $0x1082  }
0x22: {  	[simem:s7], [sflag:s8] =	dma.local @!p0 [hbm:s6], $0xF7A  }
0x23: {  	s9 =	sor.u32 $0xD0000000, s2;
	s6 =	simm.s32 $0x108;
	_ =	swait.ge @!p0 [sflag:s8], $0x0  }
0x24: {  	s3 =	sadd.s32 $0x88, s3;
	s6 =	simm.s32 @!p1 $0x1082;
	[sflag:s4] =	ssyncset.s32 $0xFFFFF086  }
0x25: {  	[simem:s6], [sflag:s4] =	dma.local [hbm:s3], $0xF7A  }
0x26: {  	[smem:$0x3F9F] =	sst s1;
	(tag) =	ssettag s2;
	_ =	strace s9  }
0x27: {  	s1 =	sld [smem:$0x3FAF]  }
0x28: {  	s2 =	sld [smem:$0x3FB0]  }
0x29: {  	s4 =	sld [smem:$0x3FB2]  }
0x2a: {  	p0 =	seq.s32 s5, $0x0;
	s5 =	sld [smem:$0x3FB3]  }
0x2b: {  	s6 =	sld [smem:$0x3FB4]  }
0x2c: {  	s7 =	sld [smem:$0x3FB5]  }
0x2d: {  	s3 =	simm.s32 $0x108;
	s8 =	sld [smem:$0x3FB6]  }
0x2e: {  	s3 =	simm.s32 @!p0 $0x1082;
	s9 =	sld [smem:$0x3FB7]  }
0x2f: {  	lr =	sadd.s32 s0, s3;
	s0 =	sld [smem:$0x3FAE]  }
0x30: {  	s3 =	sld [smem:$0x3FB1]  }
0x31: {  	[smem:$0x3FBA] =	sst s10  }
0x32: {  	s10 =	sld [smem:$0x3FB8];
	_ =	sdelay $0x3  }
0x33: {  	p0 =	seq.s32 s10, $0x1;
	s10 =	sld [smem:$0x3FBA];
	_ =	sdelay $0x3  }
0x34: {  	[smem:$0x3FBA] =	sst s10  }
0x35: {  	s10 =	sld [smem:$0x3FB9];
	_ =	sdelay $0x3  }
0x36: {  	p1 =	seq.s32 s10, $0x1;
	s10 =	sld [smem:$0x3FBA];
	_ =	sdelay $0x3  }
0x37: {  	[smem:$0x3FBA] =	sst s10  }
0x38: {  	s10 =	sld [smem:$0x3FBB]  }
0x39: {  	_ = 	snop;
	(pc) =	sbr.ind lr, $3  }
0x3a: {  	_ = 	snop  }
0x3b: {  	_ = 	snop  }
0x3c: {  	p2 =	seq.s32 s10, $0x1;
	s10 =	sld [smem:$0x3FBA]  }
0x3d: {  	_ =	shalt  }
0x3e: {  	_ =	shalt  }
0x3f: {  	_ =	shalt  }
0x40: {  	_ =	shalt  }
0x41: {  	_ =	shalt  }
0x42: {  	_ =	shalt  }
0x43: {  	_ =	shalt  }
0x44: {  	_ =	shalt  }
0x45: {  	_ =	shalt  }
0x46: {  	_ =	shalt  }
0x47: {  	_ =	shalt  }
0x48: {  	_ =	shalt  }
0x49: {  	_ =	shalt  }
0x4a: {  	_ =	shalt  }
0x4b: {  	_ =	shalt  }
0x4c: {  	_ =	shalt  }
0x4d: {  	_ =	shalt  }
0x4e: {  	_ =	shalt  }
0x4f: {  	_ =	shalt  }
0x50: {  	_ =	shalt  }
0x51: {  	_ =	shalt  }
0x52: {  	_ =	shalt  }
0x53: {  	_ =	shalt  }
0x54: {  	_ =	shalt  }
0x55: {  	_ =	shalt  }
0x56: {  	_ =	shalt  }
0x57: {  	_ =	shalt  }
0x58: {  	_ =	shalt  }
0x59: {  	_ =	shalt  }
0x5a: {  	_ =	shalt  }
0x5b: {  	_ =	shalt  }
0x5c: {  	_ =	shalt  }
0x5d: {  	_ =	shalt  }
0x5e: {  	_ =	shalt  }
0x5f: {  	_ =	shalt  }
0x60: {  	_ =	shalt  }
0x61: {  	_ =	shalt  }
0x62: {  	_ =	shalt  }
0x63: {  	_ =	shalt  }
0x64: {  	_ =	shalt  }
0x65: {  	_ =	shalt  }
0x66: {  	_ =	shalt  }
0x67: {  	_ =	shalt  }
0x68: {  	_ =	shalt  }
0x69: {  	_ =	shalt  }
0x6a: {  	_ =	shalt  }
0x6b: {  	_ =	shalt  }
0x6c: {  	_ =	shalt  }
0x6d: {  	_ =	shalt  }
0x6e: {  	_ =	shalt  }
0x6f: {  	_ =	shalt  }
0x70: {  	_ =	shalt  }
0x71: {  	_ =	shalt  }
0x72: {  	_ =	shalt  }
0x73: {  	_ =	shalt  }
0x74: {  	_ =	shalt  }
0x75: {  	_ =	shalt  }
0x76: {  	_ =	shalt  }
0x77: {  	_ =	shalt  }
0x78: {  	_ =	shalt  }
0x79: {  	_ =	shalt  }
0x7a: {  	_ =	shalt  }
0x7b: {  	_ =	shalt  }
0x7c: {  	_ =	shalt  }
0x7d: {  	_ =	shalt  }
0x7e: {  	_ =	shalt  }
0x7f: {  	_ =	shalt  }
0x80: {  	_ =	shalt  }
0x81: {  	_ =	shalt  }
0x82: {  	_ =	shalt  }
0x83: {  	_ =	shalt  }
0x84: {  	_ =	shalt  }
0x85: {  	_ =	shalt  }
0x86: {  	_ =	shalt  }
0x87: {  	_ =	shalt  }
.Lfunc_end0:
.L_simem_size_0:
called_computation.2_lowered:
.L_overlay_start_0:
0x88: {  	s2 =	sld [smem:$0x3FD9]  }
0x89: {  	s3 =	sld [smem:$0x3FFE];
	_ =	sdelay $0x1  }
0x8a: {  	s1 =	srdreg.scid  }
0x8b: {  	s0 =	sand.u32 $0x1, s1  }
0x8c: {  	s17 =	sshll.u32 s0, $0xA;
	s2 =	sadd.s32 s3, s2  }
0x8d: {  	s2 =	sadd.s32 s2, s17  }
0x8e: {  	[smem:$0x3FC6] =	sst s2  }
0x8f: {  	_ = 	snop  }
0x90: {  	s18 =	sld [smem:$0x3FC8];
	(tm) =	ssettm $0x1  }
0x91: {  	s19 =	sld [smem:$0x3FFB];
	_ =	sdelay $0x3  }
0x92: {  	_ =	strace s19  }
0x93: {  	s2 =	sld [smem:$0x3FFC];
	_ =	sdelay $0x3  }
0x94: {  	_ =	strace s2  }
0x95: {  	s2 =	sld [smem:$0x3FFD];
	_ =	sdelay $0x3  }
0x96: {  	_ =	strace s2  }
0x97: {  	_ =	strace $0x8FFFFFFF  }
0x98: {  	s20 =	sld [smem:$0x3FDB];
	_ =	sdelay $0x1  }
0x99: {  	s4 =	simm.s32 $_scs_section_size  }
0x9a: {  	s5 =	simm.s32 $_size__tile_overlayer_lowered;
	s6 =	simm.s32 $_tile_overlayer_lowered  }
0x9b: {  	s7 =	simm.s32 $0x1BFF;
	s21 =	sshll.u32 s6, $0x1;
	s4 =	sadd.s32 s4, s20  }
0x9c: {  	s22 =	simm.s32 $0x0;
	s5 =	sshll.u32 s5, $0x1;
	s6 =	sadd.s32 s21, s4  }
0x9d: {  	[timem:s22], [sflag:s7] =	dma.local [hbm:s6], s5  }
0x9e: {  	_ =	swait.ge [sflag:s7], s5  }
0x9f: {  	s5 =	ssub.s32 $0x0, s5;
	[sflag:s7] =	ssyncset.done $0x0  }
0xa0: {  	[sflag:s7] =	ssyncadd.s32 s5;
	_ =	sdelay $0x1  }
0xa1: {  	s23 =	simm.s32 $0x1B8B  }
0xa2: {  	_ =	swait.ge [sflag:s23], $0x1  }
0xa3: {  	[sflag:s23] =	ssyncset.done $0x0  }
0xa4: {  	[sflag:s23] =	ssyncadd.s32 $0xFFFFFFFF  }
0xa5: {  	s5 =	sld [smem:$0x0]  }
0xa6: {  	s6 =	sand.u32 $0xFFFFFFFE, s1  }
0xa7: {  	p0 =	sne.s32 s1, s6  }
0xa8: {  	s6 =	sshll.u32 @p0 s6, $0xE  }
0xa9: {  	s6 =	sadd.s32 @p0 $0x11B8D, s6;
	s7 =	sshll.u32 @p0 s5, $0x11  }
0xaa: {  	s6 =	sor.u32 @p0 s7, s6  }
0xab: {  	[sflag:s6] =	ssyncadd.remote.s32 @p0 $0x1;
	_ =	sdelay $0x1  }
0xac: {  	s6 =	simm.s32 @p0 $0x1B8D  }
0xad: {  	_ =	swait.eq @p0 [sflag:s6], $0x1  }
0xae: {  	[sflag:s6] =	ssyncadd.s32 @p0 $0xFFFFFFFF  }
0xaf: {  	s7 =	sshll.u32 @!p0 s1, $0xE  }
0xb0: {  	s7 =	sor.u32 @!p0 $0x4000, s7;
	s6 =	simm.s32 @!p0 $0x1B8D  }
0xb1: {  	s5 =	sshll.u32 @!p0 s5, $0x11;
	s7 =	sadd.s32 @!p0 $0x11B8D, s7;
	_ =	swait.eq @!p0 [sflag:s6], $0x1  }
0xb2: {  	s5 =	sor.u32 @!p0 s5, s7;
	[sflag:s6] =	ssyncadd.s32 @!p0 $0xFFFFFFFF  }
0xb3: {  	s25 =	simm.s32 $0x1B8E;
	s24 =	sld [smem:$0x3FFE];
	[sflag:s5] =	ssyncadd.remote.s32 @!p0 $0x1  }
0xb4: {  	s26 =	simm.s32 $execute0_lowered;
	[smem:$0x3FD2] =	sst s25  }
0xb5: {  	s6 =	sshll.u32 s26, $0x1;
	_ =	strace $0x80000049;
	[dreg:$0x1] =	wrdreg $0xFFFFFFFF  }
0xb6: {  	s28 =	simm.s32 $_size_execute0_lowered;
	s4 =	sadd.s32 s4, s6;
	[dreg:$0x0] =	wrdreg $0x0  }
0xb7: {  	s6 =	sshll.u32 s28, $0x1;
	[dreg:$0x2] =	wrdreg s4  }
0xb8: {  	[dreg:$0x3] =	wrdreg s6  }
0xb9: {  	[dreg:$0x4] =	wrdreg $0xC0  }
0xba: {  	_ =	task [dreg:s22], $0x5FFFF  }
0xbb: {  	[dreg:$0x1] =	wrdreg $0xFFFFFFFF  }
0xbc: {  	[dreg:$0x0] =	wrdreg $0x60  }
0xbd: {  	[dreg:$0x2] =	wrdreg s18  }
0xbe: {  	[dreg:$0x3] =	wrdreg s24  }
0xbf: {  	[dreg:$0x4] =	wrdreg $0xA  }
0xc0: {  	_ =	task.clear_ibuf [dreg:s22], $0x5FFFF;
	_ =	strace $0x90000049  }
0xc1: {  	s29 =	simm.s32 $0xA;
	_ =	strace $0x8000004B  }
0xc2: {  	_ =	swait.ge [sflag:s29], $0x1  }
0xc3: {  	[sflag:s29] =	ssyncadd.s32 $0xFFFFFFFF  }
0xc4: {  	_ =	strace $0x9000004B  }
0xc5: {  	_ =	sfence  }
0xc6: {  	s30 =	sld [smem:$0x0];
	_ =	sdelay $0x2  }
0xc7: {  	s31 =	sshll.u32 s1, $0xD;
	s1 =	sshrl.u32 s1, $0x2  }
0xc8: {  	s4 =	sand.u32 $0x4000, s31;
	s1 =	sadd.s32 s1, s30  }
0xc9: {  	s0 =	sor.u32 s4, s0;
	s1 =	sshll.u32 s1, $0x11  }
0xca: {  	s0 =	sor.u32 s1, s0  }
0xcb: {  	s0 =	sadd.s32 $0x8F2B, s0  }
0xcc: {  	[sflag:s0] =	ssyncadd.remote.s32 $0x1  }
0xcd: {  	_ =	sfence.sel $0xFFFF  }
0xce: {  	[dreg:$0x0] =	wrdreg $0xFFFFFFFF;
	(pc) =	sbr.abs _section_cstart, $3  }
0xcf: {  	[dreg:$0x1] =	wrdreg $0xFFFFFFFF  }
0xd0: {  	_ =	task.clear_ibuf [dreg:s22], $0x2FFFF;
	_ =	strace $0x9FFFFFFF  }
0xd1: {  	(tm) =	ssettm $0x7FFFFFFF  }
tec
execute0_lowered:
.L_overlay_start_1:
0x0: {  	(tag) =	ssettag $0x1  }
0x1: {  	s1 =	srdreg.scid;
	s0 =	stileid.u32  }
0x2: {  	s12 =	sand.u32 $0x1, s1;
	s29 =	sshll.u32 s0, $0x1  }
0x3: {  	s2 =	rddreg [dreg:$0x0];
	s13 =	sor.u32 s12, s29  }
0x4: {  	s14 =	rddreg [dreg:$0x1];
	s4 =	smul.u32 $0x24, s13  }
0x5: {  	s3 =	simm.s32 $0x0;
	s1 =	rddreg [dreg:$0x2]  }
0x6: {  	[smem:$0x7FF] =	sst s3;
	s4 =	sadd.s32 s4, s14  }
0x7: {  	_ =	strace $0x8000004A;
	s5 =	sadd.s32 $0x49800, s4;
	s4 =	simm.s32 $0x2  }
0x8: {  	[tilespmem:s3], [sflag:$0x2] =	stream.linear.gather [hbm4b:s5+s3], $0x120, $0x38;
	[tilespmem:$0x9180] =	vst v63  }
0x9: {  	_ =	swait.ge [sflag:s4], $0x120  }
0xa: {  	[sflag:s4] =	ssyncset.done $0x0  }
0xb: {  	s6 =	simm.s32 $0x60;
	s7 =	simm.s32 $0x180;
	[sflag:s4] =	ssyncadd.s32 $0xFFFFFEE0  }
0xc: {  	[tilespmem:s7], [sflag:$0x1] =	stream.indirect.gather [hbm4b:s2+s6], $0x80, s3, s6, $0xb8;
	[tilespmem:$0x9180] =	vst v63  }
0xd: {  	s8 =	simm.s32 $0x3180  }
0xe: {  	[tilespmem:s8], [sflag:$0x1] =	stream.indirect.gather [hbm4b:s2+s6], $0x80, s6, s6, $0xb8;
	[tilespmem:$0x9180] =	vst v63  }
0xf: {  	s9 =	simm.s32 $0xC0;
	s10 =	simm.s32 $0x6180;
	s11 =	simm.s32 $0x1  }
0x10: {  	[tilespmem:s10], [sflag:$0x1] =	stream.indirect.gather [hbm4b:s2+s6], $0x80, s9, s6, $0xb8;
	[tilespmem:$0x9180] =	vst v63  }
0x11: {  	_ =	swait.ge [sflag:s11], $0x3000  }
0x12: {  	[sflag:s11] =	ssyncset.done $0x0  }
0x13: {  	s12 =	ssub.s32 $0x2, s12;
	[sflag:s11] =	ssyncadd.s32 $0xFFFFD000  }
0x14: {  	s15 =	sshrl.u32 s12, $0x1;
	_ =	swait.ge [sflag:s11], $0x3000  }
0x15: {  	s30 =	ssub.s32 s12, s15;
	[sflag:s11] =	ssyncset.done $0x0  }
0x16: {  	s13 =	smul.u32 $0x1200, s13;
	s31 =	smax.u32 s30, $0x1;
	[sflag:s11] =	ssyncadd.s32 $0xFFFFD000  }
0x17: {  	p0 =	sne.s32 s31, $0x1;
	_ =	swait.ge [sflag:s11], $0x3000  }
.Ltmp0:
0x18: {  	s13 =	sadd.s32 s13, s14;
	[sflag:s11] =	ssyncset.done $0x0;
	(pc) =	sbr.rel @!p0 .LBB2_2-.Ltmp0, $4  }
0x19: {  	s12 =	sadd.s32 $0x49E00, s13;
	[sflag:s11] =	ssyncadd.s32 $0xFFFFD000  }
0x1a: {  	[hbm4b:s12+s3] =	stream.linear.scatter [tilespmem:s7], [sflag:$0x2], $0x9000, $0x38;
	[tilespmem:$0x9180] =	vst v63  }
0x1b: {  	_ =	swait.ge [sflag:s4], $0x9000  }
0x1c: {  	s13 =	sadd.s32 $0xFFFFFFFF, s31;
	[sflag:s4] =	ssyncset.done $0x0  }
.LBB2_1:
0x1d: {  	p0 =	sne.s32 s13, $0x1;
	s13 =	sadd.s32 $0xFFFFFFFF, s13;
	[sflag:s4] =	ssyncadd.s32 $0xFFFF7000  }
0x1e: {  	[tilespmem:s3], [sflag:$0x2] =	stream.linear.gather [hbm4b:s5+s3], $0x120, $0x38;
	[tilespmem:$0x9180] =	vst v63  }
0x1f: {  	_ =	swait.ge [sflag:s4], $0x120  }
0x20: {  	[sflag:s4] =	ssyncset.done $0x0  }
0x21: {  	[sflag:s4] =	ssyncadd.s32 $0xFFFFFEE0  }
0x22: {  	[tilespmem:s7], [sflag:$0x1] =	stream.indirect.gather [hbm4b:s2+s6], $0x80, s3, s6, $0xb8;
	[tilespmem:$0x9180] =	vst v63  }
0x23: {  	_ = 	snop  }
0x24: {  	[tilespmem:s8], [sflag:$0x1] =	stream.indirect.gather [hbm4b:s2+s6], $0x80, s6, s6, $0xb8;
	[tilespmem:$0x9180] =	vst v63  }
0x25: {  	_ = 	snop  }
0x26: {  	[tilespmem:s10], [sflag:$0x1] =	stream.indirect.gather [hbm4b:s2+s6], $0x80, s9, s6, $0xb8;
	[tilespmem:$0x9180] =	vst v63  }
0x27: {  	_ =	swait.ge [sflag:s11], $0x3000  }
0x28: {  	[sflag:s11] =	ssyncset.done $0x0  }
0x29: {  	[sflag:s11] =	ssyncadd.s32 $0xFFFFD000  }
0x2a: {  	_ =	swait.ge [sflag:s11], $0x3000  }
0x2b: {  	[sflag:s11] =	ssyncset.done $0x0  }
0x2c: {  	[sflag:s11] =	ssyncadd.s32 $0xFFFFD000  }
0x2d: {  	_ =	swait.ge [sflag:s11], $0x3000  }
.Ltmp1:
0x2e: {  	[sflag:s11] =	ssyncset.done $0x0;
	(pc) =	sbr.rel @p0 .LBB2_1-.Ltmp1, $4  }
0x2f: {  	[sflag:s11] =	ssyncadd.s32 $0xFFFFD000  }
0x30: {  	[hbm4b:s12+s3] =	stream.linear.scatter [tilespmem:s7], [sflag:$0x2], $0x9000, $0x38;
	[tilespmem:$0x9180] =	vst v63  }
0x31: {  	_ =	swait.ge [sflag:s4], $0x9000  }
0x32: {  	[sflag:s4] =	ssyncset.done $0x0  }
.LBB2_2:
0x33: {  	[sflag:s4] =	ssyncadd.s32 $0xFFFF7000  }
0x34: {  	_ =	sfence.sel $0x180000  }
0x35: {  	[bflag:$0x0] =	sbarrier.arrive $0xFFFF  }
0x36: {  	p0 =	sne.s32 s0, $0x0;
	_ =	strace $0x9000004A  }
0x37: {  	s0 =	sadd.s32 @!p0 $0x100000, s1;
	[bflag:$0x2] =	sbarrier.arrive $0xFFFF  }
0x38: {  	[sflag:s0] =	ssyncadd.tile.s32 @!p0 $0x1;
	_ =	shalt  }
.Lfunc_end2:
_tile_overlayer_lowered:
.L_overlay_start_2:
0x39: {  	(tag) =	ssettag $0x2  }
0x3a: {  	s0 =	rddreg [dreg:$0x0];
	s2 =	stileid.u32  }
0x3b: {  	s1 =	rddreg [dreg:$0x1];
	p0 =	sne.s32 s2, $0x0  }
0x3c: {  	s3 =	rddreg [dreg:$0x2];
	[bflag:$0x3] =	sbarrier.arrive $0xFFFF;
	s2 =	simm.s32 @!p0 $0x1C02  }
0x3d: {  	[timem:s3], [sflag:s2] =	dma.local @!p0 [hbm:s0], s1  }
0x3e: {  	s0 =	simm.s32 @!p0 $0x2  }
0x3f: {  	_ =	swait.ge @!p0 [sflag:s0], s1  }
0x40: {  	s1 =	ssub.s32 @!p0 $0x0, s1;
	[sflag:s0] =	ssyncset.done @!p0 $0x0  }
0x41: {  	[sflag:s0] =	ssyncadd.s32 @!p0 s1  }
0x42: {  	[bflag:$0x3] =	sbarrier.arrive $0xFFFF  }
0x43: {  	_ =	shalt  }

</sc_bundles>
